<compile_context>
chip_gen: v7x
topology: tpu7x:2x2x1
jax: 0.10.2.dev20260603
libtpu: 0.0.44.dev20260713+nightly
codegen_flags: <defaults>
</compile_context>

<pallas_src>
import functools

import jax
import jax.numpy as jnp
from jax import lax
from jax.experimental import pallas as pl
from jax.experimental.pallas import tpu as pltpu
from jax.experimental.pallas import tpu_sc as plsc

EMBED = 64
PADE = 128
NBUF = 4
NUM_WORKERS = 32
CL0, CL1 = 104, 96


@functools.lru_cache(maxsize=None)
def _make_gather(batch: int, seq: int):
    assert seq == CL0 + CL1
    rows_per_worker = batch // NUM_WORKERS
    n_steps = rows_per_worker * 2
    n_groups = n_steps // NBUF
    mesh = plsc.VectorSubcoreMesh(core_axis_name="c", subcore_axis_name="s")

    def step_params(s):
        return s // 2, (s % 2) * CL0, CL0 if s % 2 == 0 else CL1

    @functools.partial(
        pl.kernel,
        mesh=mesh,
        out_type=jax.ShapeDtypeStruct((batch, seq, PADE), jnp.float32),
        scratch_types=[
            pltpu.VMEM((rows_per_worker, seq), jnp.int32),
            pltpu.VMEM((NBUF, CL0, PADE), jnp.float32),
            pltpu.SemaphoreType.DMA((NBUF,)),
        ],
        compiler_params=pltpu.CompilerParams(use_tc_tiling_on_sc=False),
    )
    def gather_kernel(idx_hbm, table_hbm, out_hbm, idx_v, rows_v, gsem):
        wid = lax.axis_index("s") * 2 + lax.axis_index("c")
        row0 = wid * rows_per_worker
        pltpu.sync_copy(idx_hbm.at[pl.ds(row0, rows_per_worker)], idx_v)

        def start(s_dyn, b, s0, cl):
            r = s_dyn // 2
            pltpu.async_copy(
                table_hbm.at[idx_v.at[r, pl.ds(s0, cl)]],
                rows_v.at[b, pl.ds(0, cl)],
                gsem.at[b],
            )

        def finish(s_dyn, b, s0, cl):
            r = s_dyn // 2
            pltpu.make_async_copy(
                table_hbm.at[idx_v.at[r, pl.ds(s0, cl)]],
                rows_v.at[b, pl.ds(0, cl)],
                gsem.at[b],
            ).wait()
            pltpu.sync_copy(
                rows_v.at[b, pl.ds(0, cl), pl.ds(0, EMBED)],
                out_hbm.at[row0 + r, pl.ds(s0, cl), pl.ds(0, EMBED)],
            )

        for b in range(NBUF):
            _, s0, cl = step_params(b)
            start(b, b, s0, cl)

        def group(g, carry):
            j0 = g * NBUF
            for b in range(NBUF):
                _, s0, cl = step_params(b)
                finish(j0 + b, b, s0, cl)
                start(j0 + b + NBUF, b, s0, cl)
            return carry

        lax.fori_loop(0, n_groups - 1, group, 0)

        j0 = (n_groups - 1) * NBUF
        for b in range(NBUF):
            _, s0, cl = step_params(b)
            finish(j0 + b, b, s0, cl)

    return gather_kernel


def kernel(x, table):
    batch, seq = x.shape
    table_pad = jnp.pad(table, ((0, 0), (0, PADE - EMBED)))
    out_pad = _make_gather(batch, seq)(x, table_pad)
    return out_pad[:, :, :EMBED]

# --- scband reference (transcript-rebuilt; emitter-appended) ---
"""Pipeline reference for scband-net-8504035246516 (READ-ONLY COPY).

The authoritative reference and input builder live on the scoring server;
editing this copy changes nothing except your own understanding.
"""

import jax, jax.numpy as jnp
import numpy as np

VOCAB = 1000000
EMBED = 64
BATCH = 4096
SEQ = 200

def setup_inputs(seed: int = 0) -> dict:
    key = jax.random.key(seed)
    k_idx, k_tab = jax.random.split(key)
    x = jax.random.randint(k_idx, (BATCH, SEQ), 0, VOCAB, dtype=jnp.int64 if jax.config.jax_enable_x64 else jnp.int32)
    # embedding table, init like nn.Embedding: N(0,1)
    table = jax.random.normal(k_tab, (VOCAB, EMBED), dtype=jnp.float32)
    return {"x": x, "table": table}

def reference(x, table):
    # Net.forward: x = self.embedding(x)  -> gather rows of the embedding table
    # (the provided forward body ends at the embedding lookup; the hand-written
    #  LSTM has no forward, so the embedding output IS the module's computation)
    emb = jnp.take(table, x, axis=0)  # (BATCH, SEQ, EMBED)
    return emb

if __name__ == "__main__":
    import jax
    _d = setup_inputs()
    print(jax.jit(kernel)(*tuple(_d.values())))

</pallas_src>

<mosaic_0001>
#map = affine_map<(d0, d1) -> (0, 0)>
#map1 = affine_map<(d0, d1) -> (0, 0, 0)>
module attributes {stable_mosaic.version = 14 : i64} {
  func.func @gather_kernel(%arg0: i32, %arg1: i32, %arg2: memref<4096x200xi32, #tpu.memory_space<hbm>>, %arg3: memref<1000000x128xf32, #tpu.memory_space<hbm>>, %arg4: memref<4096x200x128xf32, #tpu.memory_space<hbm>>, %arg5: memref<128x200xi32, #tpu.memory_space<vmem>>, %arg6: memref<4x104x128xf32, #tpu.memory_space<vmem>>, %arg7: memref<4x!tpu.dma_semaphore, #tpu.memory_space<semaphore_mem>>) attributes {dimension_semantics = [#tpu.dimension_semantics<core_parallel>, #tpu.dimension_semantics<subcore_parallel>], iteration_bounds = array<i64: 2, 16>, scalar_prefetch = 0 : i64, scratch_operands = 3 : i64, tpu.core_type = #tpu.core_type<sc_vector_subcore>, window_params = [{transform_indices = #map}, {transform_indices = #map}, {transform_indices = #map1}]} {
    %mul3A = arith.constant 2 : i32
    %mul3A_0 = arith.muli %arg1, %mul3A : i32
    %add3A = arith.addi %mul3A_0, %arg0 : i32
    %mul3A_1 = arith.constant 128 : i32
    %mul3A_2 = arith.muli %add3A, %mul3A_1 : i32
    "tpu.region"() ({
      %run_scoped3A_137 = tpu.sem_alloc : memref<!tpu.dma_semaphore, #tpu.memory_space<semaphore_mem>>
      %dma_start3A_138 = arith.constant 0 : i32
      %dma_start3A_139 = tpu.memref_slice %arg2[%mul3A_2, %dma_start3A_138] : memref<4096x200xi32, #tpu.memory_space<hbm>> -> memref<128x200xi32, #tpu.memory_space<hbm>>
      %dma_start3A_140 = arith.constant 0 : i32
      %dma_start3A_141 = tpu.memref_slice %arg2[%mul3A_2, %dma_start3A_140] : memref<4096x200xi32, #tpu.memory_space<hbm>> -> memref<128x200xi32, #tpu.memory_space<hbm>>
      tpu.enqueue_dma source(%dma_start3A_141 : memref<128x200xi32, #tpu.memory_space<hbm>>) target(%arg5 : memref<128x200xi32, #tpu.memory_space<vmem>>) target_semaphore(%run_scoped3A_137 : memref<!tpu.dma_semaphore, #tpu.memory_space<semaphore_mem>>)
      %dma_wait3A_142 = arith.constant 0 : i32
      %dma_wait3A_143 = tpu.memref_slice %arg2[%mul3A_2, %dma_wait3A_142] : memref<4096x200xi32, #tpu.memory_space<hbm>> -> memref<128x200xi32, #tpu.memory_space<hbm>>
      %dma_wait3A_144 = arith.constant 0 : i32
      %dma_wait3A_145 = tpu.memref_slice %arg2[%mul3A_2, %dma_wait3A_144] : memref<4096x200xi32, #tpu.memory_space<hbm>> -> memref<128x200xi32, #tpu.memory_space<hbm>>
      tpu.wait_dma2 semaphore(%run_scoped3A_137 : memref<!tpu.dma_semaphore, #tpu.memory_space<semaphore_mem>>) src(%dma_wait3A_145 : memref<128x200xi32, #tpu.memory_space<hbm>>) dst(%arg5 : memref<128x200xi32, #tpu.memory_space<vmem>>)
      tpu.yield
    }) : () -> ()
    %dma_start3A = arith.constant 0 : i32
    %dma_start3A_3 = arith.constant 0 : i32
    %dma_start3A_4 = arith.constant 0 : i32
    %dma_start3A_5 = arith.constant 0 : i32
    %dma_start3A_6 = arith.constant 0 : i32
    %dma_start3A_7 = tpu.memref_slice %arg6[%dma_start3A_3, %dma_start3A_5, %dma_start3A_6] : memref<4x104x128xf32, #tpu.memory_space<vmem>> -> memref<1x104x128xf32, #tpu.memory_space<vmem>>
    %dma_start3A_8 = tpu.memref_squeeze %dma_start3A_7 : memref<1x104x128xf32, #tpu.memory_space<vmem>> -> memref<104x128xf32, #tpu.memory_space<vmem>>
    %dma_start3A_9 = arith.constant 0 : i32
    %dma_start3A_10 = tpu.memref_slice %arg5[%dma_start3A, %dma_start3A_9] : memref<128x200xi32, #tpu.memory_space<vmem>> -> memref<1x104xi32, #tpu.memory_space<vmem>>
    %dma_start3A_11 = tpu.memref_squeeze %dma_start3A_10 : memref<1x104xi32, #tpu.memory_space<vmem>> -> memref<104xi32, #tpu.memory_space<vmem>>
    %dma_start3A_12 = arith.constant 0 : i32
    %dma_start3A_13 = arith.constant 0 : i32
    %dma_start3A_14 = tpu.memref_slice %arg3[%dma_start3A_12, %dma_start3A_13] : memref<1000000x128xf32, #tpu.memory_space<hbm>> -> memref<1000000x128xf32, #tpu.memory_space<hbm>>
    %dma_start3A_15 = tpu.memref_slice %arg7[%dma_start3A_4] : memref<4x!tpu.dma_semaphore, #tpu.memory_space<semaphore_mem>> -> memref<1x!tpu.dma_semaphore, #tpu.memory_space<semaphore_mem>>
    %dma_start3A_16 = tpu.memref_squeeze %dma_start3A_15 : memref<1x!tpu.dma_semaphore, #tpu.memory_space<semaphore_mem>> -> memref<!tpu.dma_semaphore, #tpu.memory_space<semaphore_mem>>
    tpu.enqueue_indirect_dma source(%dma_start3A_14 : memref<1000000x128xf32, #tpu.memory_space<hbm>>) target(%dma_start3A_8 : memref<104x128xf32, #tpu.memory_space<vmem>>) offsets(%dma_start3A_11 : memref<104xi32, #tpu.memory_space<vmem>>) semaphore(%dma_start3A_16 : memref<!tpu.dma_semaphore, #tpu.memory_space<semaphore_mem>>)
    %dma_start3A_17 = arith.constant 0 : i32
    %dma_start3A_18 = arith.constant 1 : i32
    %dma_start3A_19 = arith.constant 1 : i32
    %dma_start3A_20 = arith.constant 0 : i32
    %dma_start3A_21 = arith.constant 0 : i32
    %dma_start3A_22 = tpu.memref_slice %arg6[%dma_start3A_18, %dma_start3A_20, %dma_start3A_21] : memref<4x104x128xf32, #tpu.memory_space<vmem>> -> memref<1x96x128xf32, #tpu.memory_space<vmem>>
    %dma_start3A_23 = tpu.memref_squeeze %dma_start3A_22 : memref<1x96x128xf32, #tpu.memory_space<vmem>> -> memref<96x128xf32, #tpu.memory_space<vmem>>
    %dma_start3A_24 = arith.constant 104 : i32
    %dma_start3A_25 = tpu.memref_slice %arg5[%dma_start3A_17, %dma_start3A_24] : memref<128x200xi32, #tpu.memory_space<vmem>> -> memref<1x96xi32, #tpu.memory_space<vmem>>
    %dma_start3A_26 = tpu.memref_squeeze %dma_start3A_25 : memref<1x96xi32, #tpu.memory_space<vmem>> -> memref<96xi32, #tpu.memory_space<vmem>>
    %dma_start3A_27 = arith.constant 0 : i32
    %dma_start3A_28 = arith.constant 0 : i32
    %dma_start3A_29 = tpu.memref_slice %arg3[%dma_start3A_27, %dma_start3A_28] : memref<1000000x128xf32, #tpu.memory_space<hbm>> -> memref<1000000x128xf32, #tpu.memory_space<hbm>>
    %dma_start3A_30 = tpu.memref_slice %arg7[%dma_start3A_19] : memref<4x!tpu.dma_semaphore, #tpu.memory_space<semaphore_mem>> -> memref<1x!tpu.dma_semaphore, #tpu.memory_space<semaphore_mem>>
    %dma_start3A_31 = tpu.memref_squeeze %dma_start3A_30 : memref<1x!tpu.dma_semaphore, #tpu.memory_space<semaphore_mem>> -> memref<!tpu.dma_semaphore, #tpu.memory_space<semaphore_mem>>
    tpu.enqueue_indirect_dma source(%dma_start3A_29 : memref<1000000x128xf32, #tpu.memory_space<hbm>>) target(%dma_start3A_23 : memref<96x128xf32, #tpu.memory_space<vmem>>) offsets(%dma_start3A_26 : memref<96xi32, #tpu.memory_space<vmem>>) semaphore(%dma_start3A_31 : memref<!tpu.dma_semaphore, #tpu.memory_space<semaphore_mem>>)
    %dma_start3A_32 = arith.constant 1 : i32
    %dma_start3A_33 = arith.constant 2 : i32
    %dma_start3A_34 = arith.constant 2 : i32
    %dma_start3A_35 = arith.constant 0 : i32
    %dma_start3A_36 = arith.constant 0 : i32
    %dma_start3A_37 = tpu.memref_slice %arg6[%dma_start3A_33, %dma_start3A_35, %dma_start3A_36] : memref<4x104x128xf32, #tpu.memory_space<vmem>> -> memref<1x104x128xf32, #tpu.memory_space<vmem>>
    %dma_start3A_38 = tpu.memref_squeeze %dma_start3A_37 : memref<1x104x128xf32, #tpu.memory_space<vmem>> -> memref<104x128xf32, #tpu.memory_space<vmem>>
    %dma_start3A_39 = arith.constant 0 : i32
    %dma_start3A_40 = tpu.memref_slice %arg5[%dma_start3A_32, %dma_start3A_39] : memref<128x200xi32, #tpu.memory_space<vmem>> -> memref<1x104xi32, #tpu.memory_space<vmem>>
    %dma_start3A_41 = tpu.memref_squeeze %dma_start3A_40 : memref<1x104xi32, #tpu.memory_space<vmem>> -> memref<104xi32, #tpu.memory_space<vmem>>
    %dma_start3A_42 = arith.constant 0 : i32
    %dma_start3A_43 = arith.constant 0 : i32
    %dma_start3A_44 = tpu.memref_slice %arg3[%dma_start3A_42, %dma_start3A_43] : memref<1000000x128xf32, #tpu.memory_space<hbm>> -> memref<1000000x128xf32, #tpu.memory_space<hbm>>
    %dma_start3A_45 = tpu.memref_slice %arg7[%dma_start3A_34] : memref<4x!tpu.dma_semaphore, #tpu.memory_space<semaphore_mem>> -> memref<1x!tpu.dma_semaphore, #tpu.memory_space<semaphore_mem>>
    %dma_start3A_46 = tpu.memref_squeeze %dma_start3A_45 : memref<1x!tpu.dma_semaphore, #tpu.memory_space<semaphore_mem>> -> memref<!tpu.dma_semaphore, #tpu.memory_space<semaphore_mem>>
    tpu.enqueue_indirect_dma source(%dma_start3A_44 : memref<1000000x128xf32, #tpu.memory_space<hbm>>) target(%dma_start3A_38 : memref<104x128xf32, #tpu.memory_space<vmem>>) offsets(%dma_start3A_41 : memref<104xi32, #tpu.memory_space<vmem>>) semaphore(%dma_start3A_46 : memref<!tpu.dma_semaphore, #tpu.memory_space<semaphore_mem>>)
    %dma_start3A_47 = arith.constant 1 : i32
    %dma_start3A_48 = arith.constant 3 : i32
    %dma_start3A_49 = arith.constant 3 : i32
    %dma_start3A_50 = arith.constant 0 : i32
    %dma_start3A_51 = arith.constant 0 : i32
    %dma_start3A_52 = tpu.memref_slice %arg6[%dma_start3A_48, %dma_start3A_50, %dma_start3A_51] : memref<4x104x128xf32, #tpu.memory_space<vmem>> -> memref<1x96x128xf32, #tpu.memory_space<vmem>>
    %dma_start3A_53 = tpu.memref_squeeze %dma_start3A_52 : memref<1x96x128xf32, #tpu.memory_space<vmem>> -> memref<96x128xf32, #tpu.memory_space<vmem>>
    %dma_start3A_54 = arith.constant 104 : i32
    %dma_start3A_55 = tpu.memref_slice %arg5[%dma_start3A_47, %dma_start3A_54] : memref<128x200xi32, #tpu.memory_space<vmem>> -> memref<1x96xi32, #tpu.memory_space<vmem>>
    %dma_start3A_56 = tpu.memref_squeeze %dma_start3A_55 : memref<1x96xi32, #tpu.memory_space<vmem>> -> memref<96xi32, #tpu.memory_space<vmem>>
    %dma_start3A_57 = arith.constant 0 : i32
    %dma_start3A_58 = arith.constant 0 : i32
    %dma_start3A_59 = tpu.memref_slice %arg3[%dma_start3A_57, %dma_start3A_58] : memref<1000000x128xf32, #tpu.memory_space<hbm>> -> memref<1000000x128xf32, #tpu.memory_space<hbm>>
    %dma_start3A_60 = tpu.memref_slice %arg7[%dma_start3A_49] : memref<4x!tpu.dma_semaphore, #tpu.memory_space<semaphore_mem>> -> memref<1x!tpu.dma_semaphore, #tpu.memory_space<semaphore_mem>>
    %dma_start3A_61 = tpu.memref_squeeze %dma_start3A_60 : memref<1x!tpu.dma_semaphore, #tpu.memory_space<semaphore_mem>> -> memref<!tpu.dma_semaphore, #tpu.memory_space<semaphore_mem>>
    tpu.enqueue_indirect_dma source(%dma_start3A_59 : memref<1000000x128xf32, #tpu.memory_space<hbm>>) target(%dma_start3A_53 : memref<96x128xf32, #tpu.memory_space<vmem>>) offsets(%dma_start3A_56 : memref<96xi32, #tpu.memory_space<vmem>>) semaphore(%dma_start3A_61 : memref<!tpu.dma_semaphore, #tpu.memory_space<semaphore_mem>>)
    %scan3A = arith.constant 0 : i32
    %scan3A_62 = arith.constant 0 : i32
    %scan3A_63 = arith.constant 63 : i32
    %scan3A_64 = arith.addi %scan3A_62, %scan3A_63 : i32
    %scan3A_65 = arith.constant 1 : i32
    scf.for %scan3A_137 = %scan3A_62 to %scan3A_64 step %scan3A_65  : i32 {
      %mul3A_138 = arith.constant 4 : i32
      %mul3A_139 = arith.muli %scan3A_137, %mul3A_138 : i32
      %add3A_140 = arith.constant 0 : i32
      %add3A_141 = arith.addi %mul3A_139, %add3A_140 : i32
      %jit3A = arith.constant 2 : i32
      %div3A = arith.divsi %add3A_141, %jit3A : i32
      %sign3A = arith.constant 0 : i32
      %sign3A_142 = arith.cmpi sgt, %add3A_141, %sign3A : i32
      %sign3A_143 = arith.extui %sign3A_142 : i1 to i32
      %sign3A_144 = arith.constant 0 : i32
      %sign3A_145 = arith.cmpi slt, %add3A_141, %sign3A_144 : i32
      %sign3A_146 = arith.extui %sign3A_145 : i1 to i32
      %sign3A_147 = arith.subi %sign3A_143, %sign3A_146 : i32
      %sign3A_148 = arith.constant 0 : i32
      %sign3A_149 = arith.cmpi sgt, %jit3A, %sign3A_148 : i32
      %sign3A_150 = arith.extui %sign3A_149 : i1 to i32
      %sign3A_151 = arith.constant 0 : i32
      %sign3A_152 = arith.cmpi slt, %jit3A, %sign3A_151 : i32
      %sign3A_153 = arith.extui %sign3A_152 : i1 to i32
      %sign3A_154 = arith.subi %sign3A_150, %sign3A_153 : i32
      %ne3A = arith.cmpi ne, %sign3A_147, %sign3A_154 : i32
      %rem3A = arith.remsi %add3A_141, %jit3A : i32
      %ne3A_155 = arith.constant 0 : i32
      %ne3A_156 = arith.cmpi ne, %rem3A, %ne3A_155 : i32
      %and3A = arith.andi %ne3A, %ne3A_156 : i1
      %sub3A = arith.constant 1 : i32
      %sub3A_157 = arith.subi %div3A, %sub3A : i32
      %select_n3A = arith.select %and3A, %sub3A_157, %div3A : i32
      %dma_wait3A_158 = arith.constant 0 : i32
      %dma_wait3A_159 = arith.constant 0 : i32
      %dma_wait3A_160 = arith.constant 0 : i32
      %dma_wait3A_161 = arith.constant 0 : i32
      %dma_wait3A_162 = tpu.memref_slice %arg6[%dma_wait3A_158, %dma_wait3A_160, %dma_wait3A_161] : memref<4x104x128xf32, #tpu.memory_space<vmem>> -> memref<1x104x128xf32, #tpu.memory_space<vmem>>
      %dma_wait3A_163 = tpu.memref_squeeze %dma_wait3A_162 : memref<1x104x128xf32, #tpu.memory_space<vmem>> -> memref<104x128xf32, #tpu.memory_space<vmem>>
      %dma_wait3A_164 = arith.constant 0 : i32
      %dma_wait3A_165 = tpu.memref_slice %arg5[%select_n3A, %dma_wait3A_164] : memref<128x200xi32, #tpu.memory_space<vmem>> -> memref<1x104xi32, #tpu.memory_space<vmem>>
      %dma_wait3A_166 = tpu.memref_squeeze %dma_wait3A_165 : memref<1x104xi32, #tpu.memory_space<vmem>> -> memref<104xi32, #tpu.memory_space<vmem>>
      %dma_wait3A_167 = arith.constant 0 : i32
      %dma_wait3A_168 = arith.constant 0 : i32
      %dma_wait3A_169 = tpu.memref_slice %arg3[%dma_wait3A_167, %dma_wait3A_168] : memref<1000000x128xf32, #tpu.memory_space<hbm>> -> memref<1000000x128xf32, #tpu.memory_space<hbm>>
      %dma_wait3A_170 = tpu.memref_slice %arg7[%dma_wait3A_159] : memref<4x!tpu.dma_semaphore, #tpu.memory_space<semaphore_mem>> -> memref<1x!tpu.dma_semaphore, #tpu.memory_space<semaphore_mem>>
      %dma_wait3A_171 = tpu.memref_squeeze %dma_wait3A_170 : memref<1x!tpu.dma_semaphore, #tpu.memory_space<semaphore_mem>> -> memref<!tpu.dma_semaphore, #tpu.memory_space<semaphore_mem>>
      tpu.wait_indirect_dma semaphore(%dma_wait3A_171 : memref<!tpu.dma_semaphore, #tpu.memory_space<semaphore_mem>>) src(%dma_wait3A_169 : memref<1000000x128xf32, #tpu.memory_space<hbm>>) dst(%dma_wait3A_163 : memref<104x128xf32, #tpu.memory_space<vmem>>)
      %add3A_172 = arith.addi %mul3A_2, %select_n3A : i32
      %run_scoped3A_173 = arith.constant 0 : i32
      "tpu.region"() ({
        %run_scoped3A_468 = tpu.sem_alloc : memref<!tpu.dma_semaphore, #tpu.memory_space<semaphore_mem>>
        %dma_start3A_469 = arith.constant 0 : i32
        %dma_start3A_470 = arith.constant 0 : i32
        %dma_start3A_471 = tpu.memref_slice %arg6[%run_scoped3A_173, %dma_start3A_469, %dma_start3A_470] : memref<4x104x128xf32, #tpu.memory_space<vmem>> -> memref<1x104x64xf32, #tpu.memory_space<vmem>>
        %dma_start3A_472 = tpu.memref_squeeze %dma_start3A_471 : memref<1x104x64xf32, #tpu.memory_space<vmem>> -> memref<104x64xf32, #tpu.memory_space<vmem>>
        %dma_start3A_473 = arith.constant 0 : i32
        %dma_start3A_474 = arith.constant 0 : i32
        %dma_start3A_475 = tpu.memref_slice %arg4[%add3A_172, %dma_start3A_473, %dma_start3A_474] : memref<4096x200x128xf32, #tpu.memory_space<hbm>> -> memref<1x104x64xf32, #tpu.memory_space<hbm>>
        %dma_start3A_476 = tpu.memref_squeeze %dma_start3A_475 : memref<1x104x64xf32, #tpu.memory_space<hbm>> -> memref<104x64xf32, #tpu.memory_space<hbm>>
        %dma_start3A_477 = arith.constant 0 : i32
        %dma_start3A_478 = arith.constant 0 : i32
        %dma_start3A_479 = tpu.memref_slice %arg4[%add3A_172, %dma_start3A_477, %dma_start3A_478] : memref<4096x200x128xf32, #tpu.memory_space<hbm>> -> memref<1x104x64xf32, #tpu.memory_space<hbm>>
        %dma_start3A_480 = tpu.memref_squeeze %dma_start3A_479 : memref<1x104x64xf32, #tpu.memory_space<hbm>> -> memref<104x64xf32, #tpu.memory_space<hbm>>
        %dma_start3A_481 = arith.constant 0 : i32
        %dma_start3A_482 = arith.constant 0 : i32
        %dma_start3A_483 = tpu.memref_slice %arg6[%run_scoped3A_173, %dma_start3A_481, %dma_start3A_482] : memref<4x104x128xf32, #tpu.memory_space<vmem>> -> memref<1x104x64xf32, #tpu.memory_space<vmem>>
        %dma_start3A_484 = tpu.memref_squeeze %dma_start3A_483 : memref<1x104x64xf32, #tpu.memory_space<vmem>> -> memref<104x64xf32, #tpu.memory_space<vmem>>
        tpu.enqueue_dma source(%dma_start3A_484 : memref<104x64xf32, #tpu.memory_space<vmem>>) target(%dma_start3A_480 : memref<104x64xf32, #tpu.memory_space<hbm>>) target_semaphore(%run_scoped3A_468 : memref<!tpu.dma_semaphore, #tpu.memory_space<semaphore_mem>>)
        %dma_wait3A_485 = arith.constant 0 : i32
        %dma_wait3A_486 = arith.constant 0 : i32
        %dma_wait3A_487 = tpu.memref_slice %arg6[%run_scoped3A_173, %dma_wait3A_485, %dma_wait3A_486] : memref<4x104x128xf32, #tpu.memory_space<vmem>> -> memref<1x104x64xf32, #tpu.memory_space<vmem>>
        %dma_wait3A_488 = tpu.memref_squeeze %dma_wait3A_487 : memref<1x104x64xf32, #tpu.memory_space<vmem>> -> memref<104x64xf32, #tpu.memory_space<vmem>>
        %dma_wait3A_489 = arith.constant 0 : i32
        %dma_wait3A_490 = arith.constant 0 : i32
        %dma_wait3A_491 = tpu.memref_slice %arg4[%add3A_172, %dma_wait3A_489, %dma_wait3A_490] : memref<4096x200x128xf32, #tpu.memory_space<hbm>> -> memref<1x104x64xf32, #tpu.memory_space<hbm>>
        %dma_wait3A_492 = tpu.memref_squeeze %dma_wait3A_491 : memref<1x104x64xf32, #tpu.memory_space<hbm>> -> memref<104x64xf32, #tpu.memory_space<hbm>>
        %dma_wait3A_493 = arith.constant 0 : i32
        %dma_wait3A_494 = arith.constant 0 : i32
        %dma_wait3A_495 = tpu.memref_slice %arg4[%add3A_172, %dma_wait3A_493, %dma_wait3A_494] : memref<4096x200x128xf32, #tpu.memory_space<hbm>> -> memref<1x104x64xf32, #tpu.memory_space<hbm>>
        %dma_wait3A_496 = tpu.memref_squeeze %dma_wait3A_495 : memref<1x104x64xf32, #tpu.memory_space<hbm>> -> memref<104x64xf32, #tpu.memory_space<hbm>>
        %dma_wait3A_497 = arith.constant 0 : i32
        %dma_wait3A_498 = arith.constant 0 : i32
        %dma_wait3A_499 = tpu.memref_slice %arg6[%run_scoped3A_173, %dma_wait3A_497, %dma_wait3A_498] : memref<4x104x128xf32, #tpu.memory_space<vmem>> -> memref<1x104x64xf32, #tpu.memory_space<vmem>>
        %dma_wait3A_500 = tpu.memref_squeeze %dma_wait3A_499 : memref<1x104x64xf32, #tpu.memory_space<vmem>> -> memref<104x64xf32, #tpu.memory_space<vmem>>
        tpu.wait_dma2 semaphore(%run_scoped3A_468 : memref<!tpu.dma_semaphore, #tpu.memory_space<semaphore_mem>>) src(%dma_wait3A_500 : memref<104x64xf32, #tpu.memory_space<vmem>>) dst(%dma_wait3A_496 : memref<104x64xf32, #tpu.memory_space<hbm>>)
        tpu.yield
      }) : () -> ()
      %add3A_174 = arith.constant 0 : i32
      %add3A_175 = arith.addi %mul3A_139, %add3A_174 : i32
      %add3A_176 = arith.constant 4 : i32
      %add3A_177 = arith.addi %add3A_175, %add3A_176 : i32
      %jit3A_178 = arith.constant 2 : i32
      %div3A_179 = arith.divsi %add3A_177, %jit3A_178 : i32
      %sign3A_180 = arith.constant 0 : i32
      %sign3A_181 = arith.cmpi sgt, %add3A_177, %sign3A_180 : i32
      %sign3A_182 = arith.extui %sign3A_181 : i1 to i32
      %sign3A_183 = arith.constant 0 : i32
      %sign3A_184 = arith.cmpi slt, %add3A_177, %sign3A_183 : i32
      %sign3A_185 = arith.extui %sign3A_184 : i1 to i32
      %sign3A_186 = arith.subi %sign3A_182, %sign3A_185 : i32
      %sign3A_187 = arith.constant 0 : i32
      %sign3A_188 = arith.cmpi sgt, %jit3A_178, %sign3A_187 : i32
      %sign3A_189 = arith.extui %sign3A_188 : i1 to i32
      %sign3A_190 = arith.constant 0 : i32
      %sign3A_191 = arith.cmpi slt, %jit3A_178, %sign3A_190 : i32
      %sign3A_192 = arith.extui %sign3A_191 : i1 to i32
      %sign3A_193 = arith.subi %sign3A_189, %sign3A_192 : i32
      %ne3A_194 = arith.cmpi ne, %sign3A_186, %sign3A_193 : i32
      %rem3A_195 = arith.remsi %add3A_177, %jit3A_178 : i32
      %ne3A_196 = arith.constant 0 : i32
      %ne3A_197 = arith.cmpi ne, %rem3A_195, %ne3A_196 : i32
      %and3A_198 = arith.andi %ne3A_194, %ne3A_197 : i1
      %sub3A_199 = arith.constant 1 : i32
      %sub3A_200 = arith.subi %div3A_179, %sub3A_199 : i32
      %select_n3A_201 = arith.select %and3A_198, %sub3A_200, %div3A_179 : i32
      %dma_start3A_202 = arith.constant 0 : i32
      %dma_start3A_203 = arith.constant 0 : i32
      %dma_start3A_204 = arith.constant 0 : i32
      %dma_start3A_205 = arith.constant 0 : i32
      %dma_start3A_206 = tpu.memref_slice %arg6[%dma_start3A_202, %dma_start3A_204, %dma_start3A_205] : memref<4x104x128xf32, #tpu.memory_space<vmem>> -> memref<1x104x128xf32, #tpu.memory_space<vmem>>
      %dma_start3A_207 = tpu.memref_squeeze %dma_start3A_206 : memref<1x104x128xf32, #tpu.memory_space<vmem>> -> memref<104x128xf32, #tpu.memory_space<vmem>>
      %dma_start3A_208 = arith.constant 0 : i32
      %dma_start3A_209 = tpu.memref_slice %arg5[%select_n3A_201, %dma_start3A_208] : memref<128x200xi32, #tpu.memory_space<vmem>> -> memref<1x104xi32, #tpu.memory_space<vmem>>
      %dma_start3A_210 = tpu.memref_squeeze %dma_start3A_209 : memref<1x104xi32, #tpu.memory_space<vmem>> -> memref<104xi32, #tpu.memory_space<vmem>>
      %dma_start3A_211 = arith.constant 0 : i32
      %dma_start3A_212 = arith.constant 0 : i32
      %dma_start3A_213 = tpu.memref_slice %arg3[%dma_start3A_211, %dma_start3A_212] : memref<1000000x128xf32, #tpu.memory_space<hbm>> -> memref<1000000x128xf32, #tpu.memory_space<hbm>>
      %dma_start3A_214 = tpu.memref_slice %arg7[%dma_start3A_203] : memref<4x!tpu.dma_semaphore, #tpu.memory_space<semaphore_mem>> -> memref<1x!tpu.dma_semaphore, #tpu.memory_space<semaphore_mem>>
      %dma_start3A_215 = tpu.memref_squeeze %dma_start3A_214 : memref<1x!tpu.dma_semaphore, #tpu.memory_space<semaphore_mem>> -> memref<!tpu.dma_semaphore, #tpu.memory_space<semaphore_mem>>
      tpu.enqueue_indirect_dma source(%dma_start3A_213 : memref<1000000x128xf32, #tpu.memory_space<hbm>>) target(%dma_start3A_207 : memref<104x128xf32, #tpu.memory_space<vmem>>) offsets(%dma_start3A_210 : memref<104xi32, #tpu.memory_space<vmem>>) semaphore(%dma_start3A_215 : memref<!tpu.dma_semaphore, #tpu.memory_space<semaphore_mem>>)
      %add3A_216 = arith.constant 1 : i32
      %add3A_217 = arith.addi %mul3A_139, %add3A_216 : i32
      %jit3A_218 = arith.constant 2 : i32
      %div3A_219 = arith.divsi %add3A_217, %jit3A_218 : i32
      %sign3A_220 = arith.constant 0 : i32
      %sign3A_221 = arith.cmpi sgt, %add3A_217, %sign3A_220 : i32
      %sign3A_222 = arith.extui %sign3A_221 : i1 to i32
      %sign3A_223 = arith.constant 0 : i32
      %sign3A_224 = arith.cmpi slt, %add3A_217, %sign3A_223 : i32
      %sign3A_225 = arith.extui %sign3A_224 : i1 to i32
      %sign3A_226 = arith.subi %sign3A_222, %sign3A_225 : i32
      %sign3A_227 = arith.constant 0 : i32
      %sign3A_228 = arith.cmpi sgt, %jit3A_218, %sign3A_227 : i32
      %sign3A_229 = arith.extui %sign3A_228 : i1 to i32
      %sign3A_230 = arith.constant 0 : i32
      %sign3A_231 = arith.cmpi slt, %jit3A_218, %sign3A_230 : i32
      %sign3A_232 = arith.extui %sign3A_231 : i1 to i32
      %sign3A_233 = arith.subi %sign3A_229, %sign3A_232 : i32
      %ne3A_234 = arith.cmpi ne, %sign3A_226, %sign3A_233 : i32
      %rem3A_235 = arith.remsi %add3A_217, %jit3A_218 : i32
      %ne3A_236 = arith.constant 0 : i32
      %ne3A_237 = arith.cmpi ne, %rem3A_235, %ne3A_236 : i32
      %and3A_238 = arith.andi %ne3A_234, %ne3A_237 : i1
      %sub3A_239 = arith.constant 1 : i32
      %sub3A_240 = arith.subi %div3A_219, %sub3A_239 : i32
      %select_n3A_241 = arith.select %and3A_238, %sub3A_240, %div3A_219 : i32
      %dma_wait3A_242 = arith.constant 1 : i32
      %dma_wait3A_243 = arith.constant 1 : i32
      %dma_wait3A_244 = arith.constant 0 : i32
      %dma_wait3A_245 = arith.constant 0 : i32
      %dma_wait3A_246 = tpu.memref_slice %arg6[%dma_wait3A_242, %dma_wait3A_244, %dma_wait3A_245] : memref<4x104x128xf32, #tpu.memory_space<vmem>> -> memref<1x96x128xf32, #tpu.memory_space<vmem>>
      %dma_wait3A_247 = tpu.memref_squeeze %dma_wait3A_246 : memref<1x96x128xf32, #tpu.memory_space<vmem>> -> memref<96x128xf32, #tpu.memory_space<vmem>>
      %dma_wait3A_248 = arith.constant 104 : i32
      %dma_wait3A_249 = tpu.memref_slice %arg5[%select_n3A_241, %dma_wait3A_248] : memref<128x200xi32, #tpu.memory_space<vmem>> -> memref<1x96xi32, #tpu.memory_space<vmem>>
      %dma_wait3A_250 = tpu.memref_squeeze %dma_wait3A_249 : memref<1x96xi32, #tpu.memory_space<vmem>> -> memref<96xi32, #tpu.memory_space<vmem>>
      %dma_wait3A_251 = arith.constant 0 : i32
      %dma_wait3A_252 = arith.constant 0 : i32
      %dma_wait3A_253 = tpu.memref_slice %arg3[%dma_wait3A_251, %dma_wait3A_252] : memref<1000000x128xf32, #tpu.memory_space<hbm>> -> memref<1000000x128xf32, #tpu.memory_space<hbm>>
      %dma_wait3A_254 = tpu.memref_slice %arg7[%dma_wait3A_243] : memref<4x!tpu.dma_semaphore, #tpu.memory_space<semaphore_mem>> -> memref<1x!tpu.dma_semaphore, #tpu.memory_space<semaphore_mem>>
      %dma_wait3A_255 = tpu.memref_squeeze %dma_wait3A_254 : memref<1x!tpu.dma_semaphore, #tpu.memory_space<semaphore_mem>> -> memref<!tpu.dma_semaphore, #tpu.memory_space<semaphore_mem>>
      tpu.wait_indirect_dma semaphore(%dma_wait3A_255 : memref<!tpu.dma_semaphore, #tpu.memory_space<semaphore_mem>>) src(%dma_wait3A_253 : memref<1000000x128xf32, #tpu.memory_space<hbm>>) dst(%dma_wait3A_247 : memref<96x128xf32, #tpu.memory_space<vmem>>)
      %add3A_256 = arith.addi %mul3A_2, %select_n3A_241 : i32
      %run_scoped3A_257 = arith.constant 1 : i32
      "tpu.region"() ({
        %run_scoped3A_468 = tpu.sem_alloc : memref<!tpu.dma_semaphore, #tpu.memory_space<semaphore_mem>>
        %dma_start3A_469 = arith.constant 0 : i32
        %dma_start3A_470 = arith.constant 0 : i32
        %dma_start3A_471 = tpu.memref_slice %arg6[%run_scoped3A_257, %dma_start3A_469, %dma_start3A_470] : memref<4x104x128xf32, #tpu.memory_space<vmem>> -> memref<1x96x64xf32, #tpu.memory_space<vmem>>
        %dma_start3A_472 = tpu.memref_squeeze %dma_start3A_471 : memref<1x96x64xf32, #tpu.memory_space<vmem>> -> memref<96x64xf32, #tpu.memory_space<vmem>>
        %dma_start3A_473 = arith.constant 104 : i32
        %dma_start3A_474 = arith.constant 0 : i32
        %dma_start3A_475 = tpu.memref_slice %arg4[%add3A_256, %dma_start3A_473, %dma_start3A_474] : memref<4096x200x128xf32, #tpu.memory_space<hbm>> -> memref<1x96x64xf32, #tpu.memory_space<hbm>>
        %dma_start3A_476 = tpu.memref_squeeze %dma_start3A_475 : memref<1x96x64xf32, #tpu.memory_space<hbm>> -> memref<96x64xf32, #tpu.memory_space<hbm>>
        %dma_start3A_477 = arith.constant 104 : i32
        %dma_start3A_478 = arith.constant 0 : i32
        %dma_start3A_479 = tpu.memref_slice %arg4[%add3A_256, %dma_start3A_477, %dma_start3A_478] : memref<4096x200x128xf32, #tpu.memory_space<hbm>> -> memref<1x96x64xf32, #tpu.memory_space<hbm>>
        %dma_start3A_480 = tpu.memref_squeeze %dma_start3A_479 : memref<1x96x64xf32, #tpu.memory_space<hbm>> -> memref<96x64xf32, #tpu.memory_space<hbm>>
        %dma_start3A_481 = arith.constant 0 : i32
        %dma_start3A_482 = arith.constant 0 : i32
        %dma_start3A_483 = tpu.memref_slice %arg6[%run_scoped3A_257, %dma_start3A_481, %dma_start3A_482] : memref<4x104x128xf32, #tpu.memory_space<vmem>> -> memref<1x96x64xf32, #tpu.memory_space<vmem>>
        %dma_start3A_484 = tpu.memref_squeeze %dma_start3A_483 : memref<1x96x64xf32, #tpu.memory_space<vmem>> -> memref<96x64xf32, #tpu.memory_space<vmem>>
        tpu.enqueue_dma source(%dma_start3A_484 : memref<96x64xf32, #tpu.memory_space<vmem>>) target(%dma_start3A_480 : memref<96x64xf32, #tpu.memory_space<hbm>>) target_semaphore(%run_scoped3A_468 : memref<!tpu.dma_semaphore, #tpu.memory_space<semaphore_mem>>)
        %dma_wait3A_485 = arith.constant 0 : i32
        %dma_wait3A_486 = arith.constant 0 : i32
        %dma_wait3A_487 = tpu.memref_slice %arg6[%run_scoped3A_257, %dma_wait3A_485, %dma_wait3A_486] : memref<4x104x128xf32, #tpu.memory_space<vmem>> -> memref<1x96x64xf32, #tpu.memory_space<vmem>>
        %dma_wait3A_488 = tpu.memref_squeeze %dma_wait3A_487 : memref<1x96x64xf32, #tpu.memory_space<vmem>> -> memref<96x64xf32, #tpu.memory_space<vmem>>
        %dma_wait3A_489 = arith.constant 104 : i32
        %dma_wait3A_490 = arith.constant 0 : i32
        %dma_wait3A_491 = tpu.memref_slice %arg4[%add3A_256, %dma_wait3A_489, %dma_wait3A_490] : memref<4096x200x128xf32, #tpu.memory_space<hbm>> -> memref<1x96x64xf32, #tpu.memory_space<hbm>>
        %dma_wait3A_492 = tpu.memref_squeeze %dma_wait3A_491 : memref<1x96x64xf32, #tpu.memory_space<hbm>> -> memref<96x64xf32, #tpu.memory_space<hbm>>
        %dma_wait3A_493 = arith.constant 104 : i32
        %dma_wait3A_494 = arith.constant 0 : i32
        %dma_wait3A_495 = tpu.memref_slice %arg4[%add3A_256, %dma_wait3A_493, %dma_wait3A_494] : memref<4096x200x128xf32, #tpu.memory_space<hbm>> -> memref<1x96x64xf32, #tpu.memory_space<hbm>>
        %dma_wait3A_496 = tpu.memref_squeeze %dma_wait3A_495 : memref<1x96x64xf32, #tpu.memory_space<hbm>> -> memref<96x64xf32, #tpu.memory_space<hbm>>
        %dma_wait3A_497 = arith.constant 0 : i32
        %dma_wait3A_498 = arith.constant 0 : i32
        %dma_wait3A_499 = tpu.memref_slice %arg6[%run_scoped3A_257, %dma_wait3A_497, %dma_wait3A_498] : memref<4x104x128xf32, #tpu.memory_space<vmem>> -> memref<1x96x64xf32, #tpu.memory_space<vmem>>
        %dma_wait3A_500 = tpu.memref_squeeze %dma_wait3A_499 : memref<1x96x64xf32, #tpu.memory_space<vmem>> -> memref<96x64xf32, #tpu.memory_space<vmem>>
        tpu.wait_dma2 semaphore(%run_scoped3A_468 : memref<!tpu.dma_semaphore, #tpu.memory_space<semaphore_mem>>) src(%dma_wait3A_500 : memref<96x64xf32, #tpu.memory_space<vmem>>) dst(%dma_wait3A_496 : memref<96x64xf32, #tpu.memory_space<hbm>>)
        tpu.yield
      }) : () -> ()
      %add3A_258 = arith.constant 1 : i32
      %add3A_259 = arith.addi %mul3A_139, %add3A_258 : i32
      %add3A_260 = arith.constant 4 : i32
      %add3A_261 = arith.addi %add3A_259, %add3A_260 : i32
      %jit3A_262 = arith.constant 2 : i32
      %div3A_263 = arith.divsi %add3A_261, %jit3A_262 : i32
      %sign3A_264 = arith.constant 0 : i32
      %sign3A_265 = arith.cmpi sgt, %add3A_261, %sign3A_264 : i32
      %sign3A_266 = arith.extui %sign3A_265 : i1 to i32
      %sign3A_267 = arith.constant 0 : i32
      %sign3A_268 = arith.cmpi slt, %add3A_261, %sign3A_267 : i32
      %sign3A_269 = arith.extui %sign3A_268 : i1 to i32
      %sign3A_270 = arith.subi %sign3A_266, %sign3A_269 : i32
      %sign3A_271 = arith.constant 0 : i32
      %sign3A_272 = arith.cmpi sgt, %jit3A_262, %sign3A_271 : i32
      %sign3A_273 = arith.extui %sign3A_272 : i1 to i32
      %sign3A_274 = arith.constant 0 : i32
      %sign3A_275 = arith.cmpi slt, %jit3A_262, %sign3A_274 : i32
      %sign3A_276 = arith.extui %sign3A_275 : i1 to i32
      %sign3A_277 = arith.subi %sign3A_273, %sign3A_276 : i32
      %ne3A_278 = arith.cmpi ne, %sign3A_270, %sign3A_277 : i32
      %rem3A_279 = arith.remsi %add3A_261, %jit3A_262 : i32
      %ne3A_280 = arith.constant 0 : i32
      %ne3A_281 = arith.cmpi ne, %rem3A_279, %ne3A_280 : i32
      %and3A_282 = arith.andi %ne3A_278, %ne3A_281 : i1
      %sub3A_283 = arith.constant 1 : i32
      %sub3A_284 = arith.subi %div3A_263, %sub3A_283 : i32
      %select_n3A_285 = arith.select %and3A_282, %sub3A_284, %div3A_263 : i32
      %dma_start3A_286 = arith.constant 1 : i32
      %dma_start3A_287 = arith.constant 1 : i32
      %dma_start3A_288 = arith.constant 0 : i32
      %dma_start3A_289 = arith.constant 0 : i32
      %dma_start3A_290 = tpu.memref_slice %arg6[%dma_start3A_286, %dma_start3A_288, %dma_start3A_289] : memref<4x104x128xf32, #tpu.memory_space<vmem>> -> memref<1x96x128xf32, #tpu.memory_space<vmem>>
      %dma_start3A_291 = tpu.memref_squeeze %dma_start3A_290 : memref<1x96x128xf32, #tpu.memory_space<vmem>> -> memref<96x128xf32, #tpu.memory_space<vmem>>
      %dma_start3A_292 = arith.constant 104 : i32
      %dma_start3A_293 = tpu.memref_slice %arg5[%select_n3A_285, %dma_start3A_292] : memref<128x200xi32, #tpu.memory_space<vmem>> -> memref<1x96xi32, #tpu.memory_space<vmem>>
      %dma_start3A_294 = tpu.memref_squeeze %dma_start3A_293 : memref<1x96xi32, #tpu.memory_space<vmem>> -> memref<96xi32, #tpu.memory_space<vmem>>
      %dma_start3A_295 = arith.constant 0 : i32
      %dma_start3A_296 = arith.constant 0 : i32
      %dma_start3A_297 = tpu.memref_slice %arg3[%dma_start3A_295, %dma_start3A_296] : memref<1000000x128xf32, #tpu.memory_space<hbm>> -> memref<1000000x128xf32, #tpu.memory_space<hbm>>
      %dma_start3A_298 = tpu.memref_slice %arg7[%dma_start3A_287] : memref<4x!tpu.dma_semaphore, #tpu.memory_space<semaphore_mem>> -> memref<1x!tpu.dma_semaphore, #tpu.memory_space<semaphore_mem>>
      %dma_start3A_299 = tpu.memref_squeeze %dma_start3A_298 : memref<1x!tpu.dma_semaphore, #tpu.memory_space<semaphore_mem>> -> memref<!tpu.dma_semaphore, #tpu.memory_space<semaphore_mem>>
      tpu.enqueue_indirect_dma source(%dma_start3A_297 : memref<1000000x128xf32, #tpu.memory_space<hbm>>) target(%dma_start3A_291 : memref<96x128xf32, #tpu.memory_space<vmem>>) offsets(%dma_start3A_294 : memref<96xi32, #tpu.memory_space<vmem>>) semaphore(%dma_start3A_299 : memref<!tpu.dma_semaphore, #tpu.memory_space<semaphore_mem>>)
      %add3A_300 = arith.constant 2 : i32
      %add3A_301 = arith.addi %mul3A_139, %add3A_300 : i32
      %jit3A_302 = arith.constant 2 : i32
      %div3A_303 = arith.divsi %add3A_301, %jit3A_302 : i32
      %sign3A_304 = arith.constant 0 : i32
      %sign3A_305 = arith.cmpi sgt, %add3A_301, %sign3A_304 : i32
      %sign3A_306 = arith.extui %sign3A_305 : i1 to i32
      %sign3A_307 = arith.constant 0 : i32
      %sign3A_308 = arith.cmpi slt, %add3A_301, %sign3A_307 : i32
      %sign3A_309 = arith.extui %sign3A_308 : i1 to i32
      %sign3A_310 = arith.subi %sign3A_306, %sign3A_309 : i32
      %sign3A_311 = arith.constant 0 : i32
      %sign3A_312 = arith.cmpi sgt, %jit3A_302, %sign3A_311 : i32
      %sign3A_313 = arith.extui %sign3A_312 : i1 to i32
      %sign3A_314 = arith.constant 0 : i32
      %sign3A_315 = arith.cmpi slt, %jit3A_302, %sign3A_314 : i32
      %sign3A_316 = arith.extui %sign3A_315 : i1 to i32
      %sign3A_317 = arith.subi %sign3A_313, %sign3A_316 : i32
      %ne3A_318 = arith.cmpi ne, %sign3A_310, %sign3A_317 : i32
      %rem3A_319 = arith.remsi %add3A_301, %jit3A_302 : i32
      %ne3A_320 = arith.constant 0 : i32
      %ne3A_321 = arith.cmpi ne, %rem3A_319, %ne3A_320 : i32
      %and3A_322 = arith.andi %ne3A_318, %ne3A_321 : i1
      %sub3A_323 = arith.constant 1 : i32
      %sub3A_324 = arith.subi %div3A_303, %sub3A_323 : i32
      %select_n3A_325 = arith.select %and3A_322, %sub3A_324, %div3A_303 : i32
      %dma_wait3A_326 = arith.constant 2 : i32
      %dma_wait3A_327 = arith.constant 2 : i32
      %dma_wait3A_328 = arith.constant 0 : i32
      %dma_wait3A_329 = arith.constant 0 : i32
      %dma_wait3A_330 = tpu.memref_slice %arg6[%dma_wait3A_326, %dma_wait3A_328, %dma_wait3A_329] : memref<4x104x128xf32, #tpu.memory_space<vmem>> -> memref<1x104x128xf32, #tpu.memory_space<vmem>>
      %dma_wait3A_331 = tpu.memref_squeeze %dma_wait3A_330 : memref<1x104x128xf32, #tpu.memory_space<vmem>> -> memref<104x128xf32, #tpu.memory_space<vmem>>
      %dma_wait3A_332 = arith.constant 0 : i32
      %dma_wait3A_333 = tpu.memref_slice %arg5[%select_n3A_325, %dma_wait3A_332] : memref<128x200xi32, #tpu.memory_space<vmem>> -> memref<1x104xi32, #tpu.memory_space<vmem>>
      %dma_wait3A_334 = tpu.memref_squeeze %dma_wait3A_333 : memref<1x104xi32, #tpu.memory_space<vmem>> -> memref<104xi32, #tpu.memory_space<vmem>>
      %dma_wait3A_335 = arith.constant 0 : i32
      %dma_wait3A_336 = arith.constant 0 : i32
      %dma_wait3A_337 = tpu.memref_slice %arg3[%dma_wait3A_335, %dma_wait3A_336] : memref<1000000x128xf32, #tpu.memory_space<hbm>> -> memref<1000000x128xf32, #tpu.memory_space<hbm>>
      %dma_wait3A_338 = tpu.memref_slice %arg7[%dma_wait3A_327] : memref<4x!tpu.dma_semaphore, #tpu.memory_space<semaphore_mem>> -> memref<1x!tpu.dma_semaphore, #tpu.memory_space<semaphore_mem>>
      %dma_wait3A_339 = tpu.memref_squeeze %dma_wait3A_338 : memref<1x!tpu.dma_semaphore, #tpu.memory_space<semaphore_mem>> -> memref<!tpu.dma_semaphore, #tpu.memory_space<semaphore_mem>>
      tpu.wait_indirect_dma semaphore(%dma_wait3A_339 : memref<!tpu.dma_semaphore, #tpu.memory_space<semaphore_mem>>) src(%dma_wait3A_337 : memref<1000000x128xf32, #tpu.memory_space<hbm>>) dst(%dma_wait3A_331 : memref<104x128xf32, #tpu.memory_space<vmem>>)
      %add3A_340 = arith.addi %mul3A_2, %select_n3A_325 : i32
      %run_scoped3A_341 = arith.constant 2 : i32
      "tpu.region"() ({
        %run_scoped3A_468 = tpu.sem_alloc : memref<!tpu.dma_semaphore, #tpu.memory_space<semaphore_mem>>
        %dma_start3A_469 = arith.constant 0 : i32
        %dma_start3A_470 = arith.constant 0 : i32
        %dma_start3A_471 = tpu.memref_slice %arg6[%run_scoped3A_341, %dma_start3A_469, %dma_start3A_470] : memref<4x104x128xf32, #tpu.memory_space<vmem>> -> memref<1x104x64xf32, #tpu.memory_space<vmem>>
        %dma_start3A_472 = tpu.memref_squeeze %dma_start3A_471 : memref<1x104x64xf32, #tpu.memory_space<vmem>> -> memref<104x64xf32, #tpu.memory_space<vmem>>
        %dma_start3A_473 = arith.constant 0 : i32
        %dma_start3A_474 = arith.constant 0 : i32
        %dma_start3A_475 = tpu.memref_slice %arg4[%add3A_340, %dma_start3A_473, %dma_start3A_474] : memref<4096x200x128xf32, #tpu.memory_space<hbm>> -> memref<1x104x64xf32, #tpu.memory_space<hbm>>
        %dma_start3A_476 = tpu.memref_squeeze %dma_start3A_475 : memref<1x104x64xf32, #tpu.memory_space<hbm>> -> memref<104x64xf32, #tpu.memory_space<hbm>>
        %dma_start3A_477 = arith.constant 0 : i32
        %dma_start3A_478 = arith.constant 0 : i32
        %dma_start3A_479 = tpu.memref_slice %arg4[%add3A_340, %dma_start3A_477, %dma_start3A_478] : memref<4096x200x128xf32, #tpu.memory_space<hbm>> -> memref<1x104x64xf32, #tpu.memory_space<hbm>>
        %dma_start3A_480 = tpu.memref_squeeze %dma_start3A_479 : memref<1x104x64xf32, #tpu.memory_space<hbm>> -> memref<104x64xf32, #tpu.memory_space<hbm>>
        %dma_start3A_481 = arith.constant 0 : i32
        %dma_start3A_482 = arith.constant 0 : i32
        %dma_start3A_483 = tpu.memref_slice %arg6[%run_scoped3A_341, %dma_start3A_481, %dma_start3A_482] : memref<4x104x128xf32, #tpu.memory_space<vmem>> -> memref<1x104x64xf32, #tpu.memory_space<vmem>>
        %dma_start3A_484 = tpu.memref_squeeze %dma_start3A_483 : memref<1x104x64xf32, #tpu.memory_space<vmem>> -> memref<104x64xf32, #tpu.memory_space<vmem>>
        tpu.enqueue_dma source(%dma_start3A_484 : memref<104x64xf32, #tpu.memory_space<vmem>>) target(%dma_start3A_480 : memref<104x64xf32, #tpu.memory_space<hbm>>) target_semaphore(%run_scoped3A_468 : memref<!tpu.dma_semaphore, #tpu.memory_space<semaphore_mem>>)
        %dma_wait3A_485 = arith.constant 0 : i32
        %dma_wait3A_486 = arith.constant 0 : i32
        %dma_wait3A_487 = tpu.memref_slice %arg6[%run_scoped3A_341, %dma_wait3A_485, %dma_wait3A_486] : memref<4x104x128xf32, #tpu.memory_space<vmem>> -> memref<1x104x64xf32, #tpu.memory_space<vmem>>
        %dma_wait3A_488 = tpu.memref_squeeze %dma_wait3A_487 : memref<1x104x64xf32, #tpu.memory_space<vmem>> -> memref<104x64xf32, #tpu.memory_space<vmem>>
        %dma_wait3A_489 = arith.constant 0 : i32
        %dma_wait3A_490 = arith.constant 0 : i32
        %dma_wait3A_491 = tpu.memref_slice %arg4[%add3A_340, %dma_wait3A_489, %dma_wait3A_490] : memref<4096x200x128xf32, #tpu.memory_space<hbm>> -> memref<1x104x64xf32, #tpu.memory_space<hbm>>
        %dma_wait3A_492 = tpu.memref_squeeze %dma_wait3A_491 : memref<1x104x64xf32, #tpu.memory_space<hbm>> -> memref<104x64xf32, #tpu.memory_space<hbm>>
        %dma_wait3A_493 = arith.constant 0 : i32
        %dma_wait3A_494 = arith.constant 0 : i32
        %dma_wait3A_495 = tpu.memref_slice %arg4[%add3A_340, %dma_wait3A_493, %dma_wait3A_494] : memref<4096x200x128xf32, #tpu.memory_space<hbm>> -> memref<1x104x64xf32, #tpu.memory_space<hbm>>
        %dma_wait3A_496 = tpu.memref_squeeze %dma_wait3A_495 : memref<1x104x64xf32, #tpu.memory_space<hbm>> -> memref<104x64xf32, #tpu.memory_space<hbm>>
        %dma_wait3A_497 = arith.constant 0 : i32
        %dma_wait3A_498 = arith.constant 0 : i32
        %dma_wait3A_499 = tpu.memref_slice %arg6[%run_scoped3A_341, %dma_wait3A_497, %dma_wait3A_498] : memref<4x104x128xf32, #tpu.memory_space<vmem>> -> memref<1x104x64xf32, #tpu.memory_space<vmem>>
        %dma_wait3A_500 = tpu.memref_squeeze %dma_wait3A_499 : memref<1x104x64xf32, #tpu.memory_space<vmem>> -> memref<104x64xf32, #tpu.memory_space<vmem>>
        tpu.wait_dma2 semaphore(%run_scoped3A_468 : memref<!tpu.dma_semaphore, #tpu.memory_space<semaphore_mem>>) src(%dma_wait3A_500 : memref<104x64xf32, #tpu.memory_space<vmem>>) dst(%dma_wait3A_496 : memref<104x64xf32, #tpu.memory_space<hbm>>)
        tpu.yield
      }) : () -> ()
      %add3A_342 = arith.constant 2 : i32
      %add3A_343 = arith.addi %mul3A_139, %add3A_342 : i32
      %add3A_344 = arith.constant 4 : i32
      %add3A_345 = arith.addi %add3A_343, %add3A_344 : i32
      %jit3A_346 = arith.constant 2 : i32
      %div3A_347 = arith.divsi %add3A_345, %jit3A_346 : i32
      %sign3A_348 = arith.constant 0 : i32
      %sign3A_349 = arith.cmpi sgt, %add3A_345, %sign3A_348 : i32
      %sign3A_350 = arith.extui %sign3A_349 : i1 to i32
      %sign3A_351 = arith.constant 0 : i32
      %sign3A_352 = arith.cmpi slt, %add3A_345, %sign3A_351 : i32
      %sign3A_353 = arith.extui %sign3A_352 : i1 to i32
      %sign3A_354 = arith.subi %sign3A_350, %sign3A_353 : i32
      %sign3A_355 = arith.constant 0 : i32
      %sign3A_356 = arith.cmpi sgt, %jit3A_346, %sign3A_355 : i32
      %sign3A_357 = arith.extui %sign3A_356 : i1 to i32
      %sign3A_358 = arith.constant 0 : i32
      %sign3A_359 = arith.cmpi slt, %jit3A_346, %sign3A_358 : i32
      %sign3A_360 = arith.extui %sign3A_359 : i1 to i32
      %sign3A_361 = arith.subi %sign3A_357, %sign3A_360 : i32
      %ne3A_362 = arith.cmpi ne, %sign3A_354, %sign3A_361 : i32
      %rem3A_363 = arith.remsi %add3A_345, %jit3A_346 : i32
      %ne3A_364 = arith.constant 0 : i32
      %ne3A_365 = arith.cmpi ne, %rem3A_363, %ne3A_364 : i32
      %and3A_366 = arith.andi %ne3A_362, %ne3A_365 : i1
      %sub3A_367 = arith.constant 1 : i32
      %sub3A_368 = arith.subi %div3A_347, %sub3A_367 : i32
      %select_n3A_369 = arith.select %and3A_366, %sub3A_368, %div3A_347 : i32
      %dma_start3A_370 = arith.constant 2 : i32
      %dma_start3A_371 = arith.constant 2 : i32
      %dma_start3A_372 = arith.constant 0 : i32
      %dma_start3A_373 = arith.constant 0 : i32
      %dma_start3A_374 = tpu.memref_slice %arg6[%dma_start3A_370, %dma_start3A_372, %dma_start3A_373] : memref<4x104x128xf32, #tpu.memory_space<vmem>> -> memref<1x104x128xf32, #tpu.memory_space<vmem>>
      %dma_start3A_375 = tpu.memref_squeeze %dma_start3A_374 : memref<1x104x128xf32, #tpu.memory_space<vmem>> -> memref<104x128xf32, #tpu.memory_space<vmem>>
      %dma_start3A_376 = arith.constant 0 : i32
      %dma_start3A_377 = tpu.memref_slice %arg5[%select_n3A_369, %dma_start3A_376] : memref<128x200xi32, #tpu.memory_space<vmem>> -> memref<1x104xi32, #tpu.memory_space<vmem>>
      %dma_start3A_378 = tpu.memref_squeeze %dma_start3A_377 : memref<1x104xi32, #tpu.memory_space<vmem>> -> memref<104xi32, #tpu.memory_space<vmem>>
      %dma_start3A_379 = arith.constant 0 : i32
      %dma_start3A_380 = arith.constant 0 : i32
      %dma_start3A_381 = tpu.memref_slice %arg3[%dma_start3A_379, %dma_start3A_380] : memref<1000000x128xf32, #tpu.memory_space<hbm>> -> memref<1000000x128xf32, #tpu.memory_space<hbm>>
      %dma_start3A_382 = tpu.memref_slice %arg7[%dma_start3A_371] : memref<4x!tpu.dma_semaphore, #tpu.memory_space<semaphore_mem>> -> memref<1x!tpu.dma_semaphore, #tpu.memory_space<semaphore_mem>>
      %dma_start3A_383 = tpu.memref_squeeze %dma_start3A_382 : memref<1x!tpu.dma_semaphore, #tpu.memory_space<semaphore_mem>> -> memref<!tpu.dma_semaphore, #tpu.memory_space<semaphore_mem>>
      tpu.enqueue_indirect_dma source(%dma_start3A_381 : memref<1000000x128xf32, #tpu.memory_space<hbm>>) target(%dma_start3A_375 : memref<104x128xf32, #tpu.memory_space<vmem>>) offsets(%dma_start3A_378 : memref<104xi32, #tpu.memory_space<vmem>>) semaphore(%dma_start3A_383 : memref<!tpu.dma_semaphore, #tpu.memory_space<semaphore_mem>>)
      %add3A_384 = arith.constant 3 : i32
      %add3A_385 = arith.addi %mul3A_139, %add3A_384 : i32
      %jit3A_386 = arith.constant 2 : i32
      %div3A_387 = arith.divsi %add3A_385, %jit3A_386 : i32
      %sign3A_388 = arith.constant 0 : i32
      %sign3A_389 = arith.cmpi sgt, %add3A_385, %sign3A_388 : i32
      %sign3A_390 = arith.extui %sign3A_389 : i1 to i32
      %sign3A_391 = arith.constant 0 : i32
      %sign3A_392 = arith.cmpi slt, %add3A_385, %sign3A_391 : i32
      %sign3A_393 = arith.extui %sign3A_392 : i1 to i32
      %sign3A_394 = arith.subi %sign3A_390, %sign3A_393 : i32
      %sign3A_395 = arith.constant 0 : i32
      %sign3A_396 = arith.cmpi sgt, %jit3A_386, %sign3A_395 : i32
      %sign3A_397 = arith.extui %sign3A_396 : i1 to i32
      %sign3A_398 = arith.constant 0 : i32
      %sign3A_399 = arith.cmpi slt, %jit3A_386, %sign3A_398 : i32
      %sign3A_400 = arith.extui %sign3A_399 : i1 to i32
      %sign3A_401 = arith.subi %sign3A_397, %sign3A_400 : i32
      %ne3A_402 = arith.cmpi ne, %sign3A_394, %sign3A_401 : i32
      %rem3A_403 = arith.remsi %add3A_385, %jit3A_386 : i32
      %ne3A_404 = arith.constant 0 : i32
      %ne3A_405 = arith.cmpi ne, %rem3A_403, %ne3A_404 : i32
      %and3A_406 = arith.andi %ne3A_402, %ne3A_405 : i1
      %sub3A_407 = arith.constant 1 : i32
      %sub3A_408 = arith.subi %div3A_387, %sub3A_407 : i32
      %select_n3A_409 = arith.select %and3A_406, %sub3A_408, %div3A_387 : i32
      %dma_wait3A_410 = arith.constant 3 : i32
      %dma_wait3A_411 = arith.constant 3 : i32
      %dma_wait3A_412 = arith.constant 0 : i32
      %dma_wait3A_413 = arith.constant 0 : i32
      %dma_wait3A_414 = tpu.memref_slice %arg6[%dma_wait3A_410, %dma_wait3A_412, %dma_wait3A_413] : memref<4x104x128xf32, #tpu.memory_space<vmem>> -> memref<1x96x128xf32, #tpu.memory_space<vmem>>
      %dma_wait3A_415 = tpu.memref_squeeze %dma_wait3A_414 : memref<1x96x128xf32, #tpu.memory_space<vmem>> -> memref<96x128xf32, #tpu.memory_space<vmem>>
      %dma_wait3A_416 = arith.constant 104 : i32
      %dma_wait3A_417 = tpu.memref_slice %arg5[%select_n3A_409, %dma_wait3A_416] : memref<128x200xi32, #tpu.memory_space<vmem>> -> memref<1x96xi32, #tpu.memory_space<vmem>>
      %dma_wait3A_418 = tpu.memref_squeeze %dma_wait3A_417 : memref<1x96xi32, #tpu.memory_space<vmem>> -> memref<96xi32, #tpu.memory_space<vmem>>
      %dma_wait3A_419 = arith.constant 0 : i32
      %dma_wait3A_420 = arith.constant 0 : i32
      %dma_wait3A_421 = tpu.memref_slice %arg3[%dma_wait3A_419, %dma_wait3A_420] : memref<1000000x128xf32, #tpu.memory_space<hbm>> -> memref<1000000x128xf32, #tpu.memory_space<hbm>>
      %dma_wait3A_422 = tpu.memref_slice %arg7[%dma_wait3A_411] : memref<4x!tpu.dma_semaphore, #tpu.memory_space<semaphore_mem>> -> memref<1x!tpu.dma_semaphore, #tpu.memory_space<semaphore_mem>>
      %dma_wait3A_423 = tpu.memref_squeeze %dma_wait3A_422 : memref<1x!tpu.dma_semaphore, #tpu.memory_space<semaphore_mem>> -> memref<!tpu.dma_semaphore, #tpu.memory_space<semaphore_mem>>
      tpu.wait_indirect_dma semaphore(%dma_wait3A_423 : memref<!tpu.dma_semaphore, #tpu.memory_space<semaphore_mem>>) src(%dma_wait3A_421 : memref<1000000x128xf32, #tpu.memory_space<hbm>>) dst(%dma_wait3A_415 : memref<96x128xf32, #tpu.memory_space<vmem>>)
      %add3A_424 = arith.addi %mul3A_2, %select_n3A_409 : i32
      %run_scoped3A_425 = arith.constant 3 : i32
      "tpu.region"() ({
        %run_scoped3A_468 = tpu.sem_alloc : memref<!tpu.dma_semaphore, #tpu.memory_space<semaphore_mem>>
        %dma_start3A_469 = arith.constant 0 : i32
        %dma_start3A_470 = arith.constant 0 : i32
        %dma_start3A_471 = tpu.memref_slice %arg6[%run_scoped3A_425, %dma_start3A_469, %dma_start3A_470] : memref<4x104x128xf32, #tpu.memory_space<vmem>> -> memref<1x96x64xf32, #tpu.memory_space<vmem>>
        %dma_start3A_472 = tpu.memref_squeeze %dma_start3A_471 : memref<1x96x64xf32, #tpu.memory_space<vmem>> -> memref<96x64xf32, #tpu.memory_space<vmem>>
        %dma_start3A_473 = arith.constant 104 : i32
        %dma_start3A_474 = arith.constant 0 : i32
        %dma_start3A_475 = tpu.memref_slice %arg4[%add3A_424, %dma_start3A_473, %dma_start3A_474] : memref<4096x200x128xf32, #tpu.memory_space<hbm>> -> memref<1x96x64xf32, #tpu.memory_space<hbm>>
        %dma_start3A_476 = tpu.memref_squeeze %dma_start3A_475 : memref<1x96x64xf32, #tpu.memory_space<hbm>> -> memref<96x64xf32, #tpu.memory_space<hbm>>
        %dma_start3A_477 = arith.constant 104 : i32
        %dma_start3A_478 = arith.constant 0 : i32
        %dma_start3A_479 = tpu.memref_slice %arg4[%add3A_424, %dma_start3A_477, %dma_start3A_478] : memref<4096x200x128xf32, #tpu.memory_space<hbm>> -> memref<1x96x64xf32, #tpu.memory_space<hbm>>
        %dma_start3A_480 = tpu.memref_squeeze %dma_start3A_479 : memref<1x96x64xf32, #tpu.memory_space<hbm>> -> memref<96x64xf32, #tpu.memory_space<hbm>>
        %dma_start3A_481 = arith.constant 0 : i32
        %dma_start3A_482 = arith.constant 0 : i32
        %dma_start3A_483 = tpu.memref_slice %arg6[%run_scoped3A_425, %dma_start3A_481, %dma_start3A_482] : memref<4x104x128xf32, #tpu.memory_space<vmem>> -> memref<1x96x64xf32, #tpu.memory_space<vmem>>
        %dma_start3A_484 = tpu.memref_squeeze %dma_start3A_483 : memref<1x96x64xf32, #tpu.memory_space<vmem>> -> memref<96x64xf32, #tpu.memory_space<vmem>>
        tpu.enqueue_dma source(%dma_start3A_484 : memref<96x64xf32, #tpu.memory_space<vmem>>) target(%dma_start3A_480 : memref<96x64xf32, #tpu.memory_space<hbm>>) target_semaphore(%run_scoped3A_468 : memref<!tpu.dma_semaphore, #tpu.memory_space<semaphore_mem>>)
        %dma_wait3A_485 = arith.constant 0 : i32
        %dma_wait3A_486 = arith.constant 0 : i32
        %dma_wait3A_487 = tpu.memref_slice %arg6[%run_scoped3A_425, %dma_wait3A_485, %dma_wait3A_486] : memref<4x104x128xf32, #tpu.memory_space<vmem>> -> memref<1x96x64xf32, #tpu.memory_space<vmem>>
        %dma_wait3A_488 = tpu.memref_squeeze %dma_wait3A_487 : memref<1x96x64xf32, #tpu.memory_space<vmem>> -> memref<96x64xf32, #tpu.memory_space<vmem>>
        %dma_wait3A_489 = arith.constant 104 : i32
        %dma_wait3A_490 = arith.constant 0 : i32
        %dma_wait3A_491 = tpu.memref_slice %arg4[%add3A_424, %dma_wait3A_489, %dma_wait3A_490] : memref<4096x200x128xf32, #tpu.memory_space<hbm>> -> memref<1x96x64xf32, #tpu.memory_space<hbm>>
        %dma_wait3A_492 = tpu.memref_squeeze %dma_wait3A_491 : memref<1x96x64xf32, #tpu.memory_space<hbm>> -> memref<96x64xf32, #tpu.memory_space<hbm>>
        %dma_wait3A_493 = arith.constant 104 : i32
        %dma_wait3A_494 = arith.constant 0 : i32
        %dma_wait3A_495 = tpu.memref_slice %arg4[%add3A_424, %dma_wait3A_493, %dma_wait3A_494] : memref<4096x200x128xf32, #tpu.memory_space<hbm>> -> memref<1x96x64xf32, #tpu.memory_space<hbm>>
        %dma_wait3A_496 = tpu.memref_squeeze %dma_wait3A_495 : memref<1x96x64xf32, #tpu.memory_space<hbm>> -> memref<96x64xf32, #tpu.memory_space<hbm>>
        %dma_wait3A_497 = arith.constant 0 : i32
        %dma_wait3A_498 = arith.constant 0 : i32
        %dma_wait3A_499 = tpu.memref_slice %arg6[%run_scoped3A_425, %dma_wait3A_497, %dma_wait3A_498] : memref<4x104x128xf32, #tpu.memory_space<vmem>> -> memref<1x96x64xf32, #tpu.memory_space<vmem>>
        %dma_wait3A_500 = tpu.memref_squeeze %dma_wait3A_499 : memref<1x96x64xf32, #tpu.memory_space<vmem>> -> memref<96x64xf32, #tpu.memory_space<vmem>>
        tpu.wait_dma2 semaphore(%run_scoped3A_468 : memref<!tpu.dma_semaphore, #tpu.memory_space<semaphore_mem>>) src(%dma_wait3A_500 : memref<96x64xf32, #tpu.memory_space<vmem>>) dst(%dma_wait3A_496 : memref<96x64xf32, #tpu.memory_space<hbm>>)
        tpu.yield
      }) : () -> ()
      %add3A_426 = arith.constant 3 : i32
      %add3A_427 = arith.addi %mul3A_139, %add3A_426 : i32
      %add3A_428 = arith.constant 4 : i32
      %add3A_429 = arith.addi %add3A_427, %add3A_428 : i32
      %jit3A_430 = arith.constant 2 : i32
      %div3A_431 = arith.divsi %add3A_429, %jit3A_430 : i32
      %sign3A_432 = arith.constant 0 : i32
      %sign3A_433 = arith.cmpi sgt, %add3A_429, %sign3A_432 : i32
      %sign3A_434 = arith.extui %sign3A_433 : i1 to i32
      %sign3A_435 = arith.constant 0 : i32
      %sign3A_436 = arith.cmpi slt, %add3A_429, %sign3A_435 : i32
      %sign3A_437 = arith.extui %sign3A_436 : i1 to i32
      %sign3A_438 = arith.subi %sign3A_434, %sign3A_437 : i32
      %sign3A_439 = arith.constant 0 : i32
      %sign3A_440 = arith.cmpi sgt, %jit3A_430, %sign3A_439 : i32
      %sign3A_441 = arith.extui %sign3A_440 : i1 to i32
      %sign3A_442 = arith.constant 0 : i32
      %sign3A_443 = arith.cmpi slt, %jit3A_430, %sign3A_442 : i32
      %sign3A_444 = arith.extui %sign3A_443 : i1 to i32
      %sign3A_445 = arith.subi %sign3A_441, %sign3A_444 : i32
      %ne3A_446 = arith.cmpi ne, %sign3A_438, %sign3A_445 : i32
      %rem3A_447 = arith.remsi %add3A_429, %jit3A_430 : i32
      %ne3A_448 = arith.constant 0 : i32
      %ne3A_449 = arith.cmpi ne, %rem3A_447, %ne3A_448 : i32
      %and3A_450 = arith.andi %ne3A_446, %ne3A_449 : i1
      %sub3A_451 = arith.constant 1 : i32
      %sub3A_452 = arith.subi %div3A_431, %sub3A_451 : i32
      %select_n3A_453 = arith.select %and3A_450, %sub3A_452, %div3A_431 : i32
      %dma_start3A_454 = arith.constant 3 : i32
      %dma_start3A_455 = arith.constant 3 : i32
      %dma_start3A_456 = arith.constant 0 : i32
      %dma_start3A_457 = arith.constant 0 : i32
      %dma_start3A_458 = tpu.memref_slice %arg6[%dma_start3A_454, %dma_start3A_456, %dma_start3A_457] : memref<4x104x128xf32, #tpu.memory_space<vmem>> -> memref<1x96x128xf32, #tpu.memory_space<vmem>>
      %dma_start3A_459 = tpu.memref_squeeze %dma_start3A_458 : memref<1x96x128xf32, #tpu.memory_space<vmem>> -> memref<96x128xf32, #tpu.memory_space<vmem>>
      %dma_start3A_460 = arith.constant 104 : i32
      %dma_start3A_461 = tpu.memref_slice %arg5[%select_n3A_453, %dma_start3A_460] : memref<128x200xi32, #tpu.memory_space<vmem>> -> memref<1x96xi32, #tpu.memory_space<vmem>>
      %dma_start3A_462 = tpu.memref_squeeze %dma_start3A_461 : memref<1x96xi32, #tpu.memory_space<vmem>> -> memref<96xi32, #tpu.memory_space<vmem>>
      %dma_start3A_463 = arith.constant 0 : i32
      %dma_start3A_464 = arith.constant 0 : i32
      %dma_start3A_465 = tpu.memref_slice %arg3[%dma_start3A_463, %dma_start3A_464] : memref<1000000x128xf32, #tpu.memory_space<hbm>> -> memref<1000000x128xf32, #tpu.memory_space<hbm>>
      %dma_start3A_466 = tpu.memref_slice %arg7[%dma_start3A_455] : memref<4x!tpu.dma_semaphore, #tpu.memory_space<semaphore_mem>> -> memref<1x!tpu.dma_semaphore, #tpu.memory_space<semaphore_mem>>
      %dma_start3A_467 = tpu.memref_squeeze %dma_start3A_466 : memref<1x!tpu.dma_semaphore, #tpu.memory_space<semaphore_mem>> -> memref<!tpu.dma_semaphore, #tpu.memory_space<semaphore_mem>>
      tpu.enqueue_indirect_dma source(%dma_start3A_465 : memref<1000000x128xf32, #tpu.memory_space<hbm>>) target(%dma_start3A_459 : memref<96x128xf32, #tpu.memory_space<vmem>>) offsets(%dma_start3A_462 : memref<96xi32, #tpu.memory_space<vmem>>) semaphore(%dma_start3A_467 : memref<!tpu.dma_semaphore, #tpu.memory_space<semaphore_mem>>)
    }
    %scan3A_66 = arith.constant 63 : i32
    %dma_wait3A = arith.constant 126 : i32
    %dma_wait3A_67 = arith.constant 0 : i32
    %dma_wait3A_68 = arith.constant 0 : i32
    %dma_wait3A_69 = arith.constant 0 : i32
    %dma_wait3A_70 = arith.constant 0 : i32
    %dma_wait3A_71 = tpu.memref_slice %arg6[%dma_wait3A_67, %dma_wait3A_69, %dma_wait3A_70] : memref<4x104x128xf32, #tpu.memory_space<vmem>> -> memref<1x104x128xf32, #tpu.memory_space<vmem>>
    %dma_wait3A_72 = tpu.memref_squeeze %dma_wait3A_71 : memref<1x104x128xf32, #tpu.memory_space<vmem>> -> memref<104x128xf32, #tpu.memory_space<vmem>>
    %dma_wait3A_73 = arith.constant 0 : i32
    %dma_wait3A_74 = tpu.memref_slice %arg5[%dma_wait3A, %dma_wait3A_73] : memref<128x200xi32, #tpu.memory_space<vmem>> -> memref<1x104xi32, #tpu.memory_space<vmem>>
    %dma_wait3A_75 = tpu.memref_squeeze %dma_wait3A_74 : memref<1x104xi32, #tpu.memory_space<vmem>> -> memref<104xi32, #tpu.memory_space<vmem>>
    %dma_wait3A_76 = arith.constant 0 : i32
    %dma_wait3A_77 = arith.constant 0 : i32
    %dma_wait3A_78 = tpu.memref_slice %arg3[%dma_wait3A_76, %dma_wait3A_77] : memref<1000000x128xf32, #tpu.memory_space<hbm>> -> memref<1000000x128xf32, #tpu.memory_space<hbm>>
    %dma_wait3A_79 = tpu.memref_slice %arg7[%dma_wait3A_68] : memref<4x!tpu.dma_semaphore, #tpu.memory_space<semaphore_mem>> -> memref<1x!tpu.dma_semaphore, #tpu.memory_space<semaphore_mem>>
    %dma_wait3A_80 = tpu.memref_squeeze %dma_wait3A_79 : memref<1x!tpu.dma_semaphore, #tpu.memory_space<semaphore_mem>> -> memref<!tpu.dma_semaphore, #tpu.memory_space<semaphore_mem>>
    tpu.wait_indirect_dma semaphore(%dma_wait3A_80 : memref<!tpu.dma_semaphore, #tpu.memory_space<semaphore_mem>>) src(%dma_wait3A_78 : memref<1000000x128xf32, #tpu.memory_space<hbm>>) dst(%dma_wait3A_72 : memref<104x128xf32, #tpu.memory_space<vmem>>)
    %add3A_81 = arith.constant 126 : i32
    %add3A_82 = arith.addi %mul3A_2, %add3A_81 : i32
    %run_scoped3A = arith.constant 0 : i32
    "tpu.region"() ({
      %run_scoped3A_137 = tpu.sem_alloc : memref<!tpu.dma_semaphore, #tpu.memory_space<semaphore_mem>>
      %dma_start3A_138 = arith.constant 0 : i32
      %dma_start3A_139 = arith.constant 0 : i32
      %dma_start3A_140 = tpu.memref_slice %arg6[%run_scoped3A, %dma_start3A_138, %dma_start3A_139] : memref<4x104x128xf32, #tpu.memory_space<vmem>> -> memref<1x104x64xf32, #tpu.memory_space<vmem>>
      %dma_start3A_141 = tpu.memref_squeeze %dma_start3A_140 : memref<1x104x64xf32, #tpu.memory_space<vmem>> -> memref<104x64xf32, #tpu.memory_space<vmem>>
      %dma_start3A_142 = arith.constant 0 : i32
      %dma_start3A_143 = arith.constant 0 : i32
      %dma_start3A_144 = tpu.memref_slice %arg4[%add3A_82, %dma_start3A_142, %dma_start3A_143] : memref<4096x200x128xf32, #tpu.memory_space<hbm>> -> memref<1x104x64xf32, #tpu.memory_space<hbm>>
      %dma_start3A_145 = tpu.memref_squeeze %dma_start3A_144 : memref<1x104x64xf32, #tpu.memory_space<hbm>> -> memref<104x64xf32, #tpu.memory_space<hbm>>
      %dma_start3A_146 = arith.constant 0 : i32
      %dma_start3A_147 = arith.constant 0 : i32
      %dma_start3A_148 = tpu.memref_slice %arg4[%add3A_82, %dma_start3A_146, %dma_start3A_147] : memref<4096x200x128xf32, #tpu.memory_space<hbm>> -> memref<1x104x64xf32, #tpu.memory_space<hbm>>
      %dma_start3A_149 = tpu.memref_squeeze %dma_start3A_148 : memref<1x104x64xf32, #tpu.memory_space<hbm>> -> memref<104x64xf32, #tpu.memory_space<hbm>>
      %dma_start3A_150 = arith.constant 0 : i32
      %dma_start3A_151 = arith.constant 0 : i32
      %dma_start3A_152 = tpu.memref_slice %arg6[%run_scoped3A, %dma_start3A_150, %dma_start3A_151] : memref<4x104x128xf32, #tpu.memory_space<vmem>> -> memref<1x104x64xf32, #tpu.memory_space<vmem>>
      %dma_start3A_153 = tpu.memref_squeeze %dma_start3A_152 : memref<1x104x64xf32, #tpu.memory_space<vmem>> -> memref<104x64xf32, #tpu.memory_space<vmem>>
      tpu.enqueue_dma source(%dma_start3A_153 : memref<104x64xf32, #tpu.memory_space<vmem>>) target(%dma_start3A_149 : memref<104x64xf32, #tpu.memory_space<hbm>>) target_semaphore(%run_scoped3A_137 : memref<!tpu.dma_semaphore, #tpu.memory_space<semaphore_mem>>)
      %dma_wait3A_154 = arith.constant 0 : i32
      %dma_wait3A_155 = arith.constant 0 : i32
      %dma_wait3A_156 = tpu.memref_slice %arg6[%run_scoped3A, %dma_wait3A_154, %dma_wait3A_155] : memref<4x104x128xf32, #tpu.memory_space<vmem>> -> memref<1x104x64xf32, #tpu.memory_space<vmem>>
      %dma_wait3A_157 = tpu.memref_squeeze %dma_wait3A_156 : memref<1x104x64xf32, #tpu.memory_space<vmem>> -> memref<104x64xf32, #tpu.memory_space<vmem>>
      %dma_wait3A_158 = arith.constant 0 : i32
      %dma_wait3A_159 = arith.constant 0 : i32
      %dma_wait3A_160 = tpu.memref_slice %arg4[%add3A_82, %dma_wait3A_158, %dma_wait3A_159] : memref<4096x200x128xf32, #tpu.memory_space<hbm>> -> memref<1x104x64xf32, #tpu.memory_space<hbm>>
      %dma_wait3A_161 = tpu.memref_squeeze %dma_wait3A_160 : memref<1x104x64xf32, #tpu.memory_space<hbm>> -> memref<104x64xf32, #tpu.memory_space<hbm>>
      %dma_wait3A_162 = arith.constant 0 : i32
      %dma_wait3A_163 = arith.constant 0 : i32
      %dma_wait3A_164 = tpu.memref_slice %arg4[%add3A_82, %dma_wait3A_162, %dma_wait3A_163] : memref<4096x200x128xf32, #tpu.memory_space<hbm>> -> memref<1x104x64xf32, #tpu.memory_space<hbm>>
      %dma_wait3A_165 = tpu.memref_squeeze %dma_wait3A_164 : memref<1x104x64xf32, #tpu.memory_space<hbm>> -> memref<104x64xf32, #tpu.memory_space<hbm>>
      %dma_wait3A_166 = arith.constant 0 : i32
      %dma_wait3A_167 = arith.constant 0 : i32
      %dma_wait3A_168 = tpu.memref_slice %arg6[%run_scoped3A, %dma_wait3A_166, %dma_wait3A_167] : memref<4x104x128xf32, #tpu.memory_space<vmem>> -> memref<1x104x64xf32, #tpu.memory_space<vmem>>
      %dma_wait3A_169 = tpu.memref_squeeze %dma_wait3A_168 : memref<1x104x64xf32, #tpu.memory_space<vmem>> -> memref<104x64xf32, #tpu.memory_space<vmem>>
      tpu.wait_dma2 semaphore(%run_scoped3A_137 : memref<!tpu.dma_semaphore, #tpu.memory_space<semaphore_mem>>) src(%dma_wait3A_169 : memref<104x64xf32, #tpu.memory_space<vmem>>) dst(%dma_wait3A_165 : memref<104x64xf32, #tpu.memory_space<hbm>>)
      tpu.yield
    }) : () -> ()
    %dma_wait3A_83 = arith.constant 126 : i32
    %dma_wait3A_84 = arith.constant 1 : i32
    %dma_wait3A_85 = arith.constant 1 : i32
    %dma_wait3A_86 = arith.constant 0 : i32
    %dma_wait3A_87 = arith.constant 0 : i32
    %dma_wait3A_88 = tpu.memref_slice %arg6[%dma_wait3A_84, %dma_wait3A_86, %dma_wait3A_87] : memref<4x104x128xf32, #tpu.memory_space<vmem>> -> memref<1x96x128xf32, #tpu.memory_space<vmem>>
    %dma_wait3A_89 = tpu.memref_squeeze %dma_wait3A_88 : memref<1x96x128xf32, #tpu.memory_space<vmem>> -> memref<96x128xf32, #tpu.memory_space<vmem>>
    %dma_wait3A_90 = arith.constant 104 : i32
    %dma_wait3A_91 = tpu.memref_slice %arg5[%dma_wait3A_83, %dma_wait3A_90] : memref<128x200xi32, #tpu.memory_space<vmem>> -> memref<1x96xi32, #tpu.memory_space<vmem>>
    %dma_wait3A_92 = tpu.memref_squeeze %dma_wait3A_91 : memref<1x96xi32, #tpu.memory_space<vmem>> -> memref<96xi32, #tpu.memory_space<vmem>>
    %dma_wait3A_93 = arith.constant 0 : i32
    %dma_wait3A_94 = arith.constant 0 : i32
    %dma_wait3A_95 = tpu.memref_slice %arg3[%dma_wait3A_93, %dma_wait3A_94] : memref<1000000x128xf32, #tpu.memory_space<hbm>> -> memref<1000000x128xf32, #tpu.memory_space<hbm>>
    %dma_wait3A_96 = tpu.memref_slice %arg7[%dma_wait3A_85] : memref<4x!tpu.dma_semaphore, #tpu.memory_space<semaphore_mem>> -> memref<1x!tpu.dma_semaphore, #tpu.memory_space<semaphore_mem>>
    %dma_wait3A_97 = tpu.memref_squeeze %dma_wait3A_96 : memref<1x!tpu.dma_semaphore, #tpu.memory_space<semaphore_mem>> -> memref<!tpu.dma_semaphore, #tpu.memory_space<semaphore_mem>>
    tpu.wait_indirect_dma semaphore(%dma_wait3A_97 : memref<!tpu.dma_semaphore, #tpu.memory_space<semaphore_mem>>) src(%dma_wait3A_95 : memref<1000000x128xf32, #tpu.memory_space<hbm>>) dst(%dma_wait3A_89 : memref<96x128xf32, #tpu.memory_space<vmem>>)
    %add3A_98 = arith.constant 126 : i32
    %add3A_99 = arith.addi %mul3A_2, %add3A_98 : i32
    %run_scoped3A_100 = arith.constant 1 : i32
    "tpu.region"() ({
      %run_scoped3A_137 = tpu.sem_alloc : memref<!tpu.dma_semaphore, #tpu.memory_space<semaphore_mem>>
      %dma_start3A_138 = arith.constant 0 : i32
      %dma_start3A_139 = arith.constant 0 : i32
      %dma_start3A_140 = tpu.memref_slice %arg6[%run_scoped3A_100, %dma_start3A_138, %dma_start3A_139] : memref<4x104x128xf32, #tpu.memory_space<vmem>> -> memref<1x96x64xf32, #tpu.memory_space<vmem>>
      %dma_start3A_141 = tpu.memref_squeeze %dma_start3A_140 : memref<1x96x64xf32, #tpu.memory_space<vmem>> -> memref<96x64xf32, #tpu.memory_space<vmem>>
      %dma_start3A_142 = arith.constant 104 : i32
      %dma_start3A_143 = arith.constant 0 : i32
      %dma_start3A_144 = tpu.memref_slice %arg4[%add3A_99, %dma_start3A_142, %dma_start3A_143] : memref<4096x200x128xf32, #tpu.memory_space<hbm>> -> memref<1x96x64xf32, #tpu.memory_space<hbm>>
      %dma_start3A_145 = tpu.memref_squeeze %dma_start3A_144 : memref<1x96x64xf32, #tpu.memory_space<hbm>> -> memref<96x64xf32, #tpu.memory_space<hbm>>
      %dma_start3A_146 = arith.constant 104 : i32
      %dma_start3A_147 = arith.constant 0 : i32
      %dma_start3A_148 = tpu.memref_slice %arg4[%add3A_99, %dma_start3A_146, %dma_start3A_147] : memref<4096x200x128xf32, #tpu.memory_space<hbm>> -> memref<1x96x64xf32, #tpu.memory_space<hbm>>
      %dma_start3A_149 = tpu.memref_squeeze %dma_start3A_148 : memref<1x96x64xf32, #tpu.memory_space<hbm>> -> memref<96x64xf32, #tpu.memory_space<hbm>>
      %dma_start3A_150 = arith.constant 0 : i32
      %dma_start3A_151 = arith.constant 0 : i32
      %dma_start3A_152 = tpu.memref_slice %arg6[%run_scoped3A_100, %dma_start3A_150, %dma_start3A_151] : memref<4x104x128xf32, #tpu.memory_space<vmem>> -> memref<1x96x64xf32, #tpu.memory_space<vmem>>
      %dma_start3A_153 = tpu.memref_squeeze %dma_start3A_152 : memref<1x96x64xf32, #tpu.memory_space<vmem>> -> memref<96x64xf32, #tpu.memory_space<vmem>>
      tpu.enqueue_dma source(%dma_start3A_153 : memref<96x64xf32, #tpu.memory_space<vmem>>) target(%dma_start3A_149 : memref<96x64xf32, #tpu.memory_space<hbm>>) target_semaphore(%run_scoped3A_137 : memref<!tpu.dma_semaphore, #tpu.memory_space<semaphore_mem>>)
      %dma_wait3A_154 = arith.constant 0 : i32
      %dma_wait3A_155 = arith.constant 0 : i32
      %dma_wait3A_156 = tpu.memref_slice %arg6[%run_scoped3A_100, %dma_wait3A_154, %dma_wait3A_155] : memref<4x104x128xf32, #tpu.memory_space<vmem>> -> memref<1x96x64xf32, #tpu.memory_space<vmem>>
      %dma_wait3A_157 = tpu.memref_squeeze %dma_wait3A_156 : memref<1x96x64xf32, #tpu.memory_space<vmem>> -> memref<96x64xf32, #tpu.memory_space<vmem>>
      %dma_wait3A_158 = arith.constant 104 : i32
      %dma_wait3A_159 = arith.constant 0 : i32
      %dma_wait3A_160 = tpu.memref_slice %arg4[%add3A_99, %dma_wait3A_158, %dma_wait3A_159] : memref<4096x200x128xf32, #tpu.memory_space<hbm>> -> memref<1x96x64xf32, #tpu.memory_space<hbm>>
      %dma_wait3A_161 = tpu.memref_squeeze %dma_wait3A_160 : memref<1x96x64xf32, #tpu.memory_space<hbm>> -> memref<96x64xf32, #tpu.memory_space<hbm>>
      %dma_wait3A_162 = arith.constant 104 : i32
      %dma_wait3A_163 = arith.constant 0 : i32
      %dma_wait3A_164 = tpu.memref_slice %arg4[%add3A_99, %dma_wait3A_162, %dma_wait3A_163] : memref<4096x200x128xf32, #tpu.memory_space<hbm>> -> memref<1x96x64xf32, #tpu.memory_space<hbm>>
      %dma_wait3A_165 = tpu.memref_squeeze %dma_wait3A_164 : memref<1x96x64xf32, #tpu.memory_space<hbm>> -> memref<96x64xf32, #tpu.memory_space<hbm>>
      %dma_wait3A_166 = arith.constant 0 : i32
      %dma_wait3A_167 = arith.constant 0 : i32
      %dma_wait3A_168 = tpu.memref_slice %arg6[%run_scoped3A_100, %dma_wait3A_166, %dma_wait3A_167] : memref<4x104x128xf32, #tpu.memory_space<vmem>> -> memref<1x96x64xf32, #tpu.memory_space<vmem>>
      %dma_wait3A_169 = tpu.memref_squeeze %dma_wait3A_168 : memref<1x96x64xf32, #tpu.memory_space<vmem>> -> memref<96x64xf32, #tpu.memory_space<vmem>>
      tpu.wait_dma2 semaphore(%run_scoped3A_137 : memref<!tpu.dma_semaphore, #tpu.memory_space<semaphore_mem>>) src(%dma_wait3A_169 : memref<96x64xf32, #tpu.memory_space<vmem>>) dst(%dma_wait3A_165 : memref<96x64xf32, #tpu.memory_space<hbm>>)
      tpu.yield
    }) : () -> ()
    %dma_wait3A_101 = arith.constant 127 : i32
    %dma_wait3A_102 = arith.constant 2 : i32
    %dma_wait3A_103 = arith.constant 2 : i32
    %dma_wait3A_104 = arith.constant 0 : i32
    %dma_wait3A_105 = arith.constant 0 : i32
    %dma_wait3A_106 = tpu.memref_slice %arg6[%dma_wait3A_102, %dma_wait3A_104, %dma_wait3A_105] : memref<4x104x128xf32, #tpu.memory_space<vmem>> -> memref<1x104x128xf32, #tpu.memory_space<vmem>>
    %dma_wait3A_107 = tpu.memref_squeeze %dma_wait3A_106 : memref<1x104x128xf32, #tpu.memory_space<vmem>> -> memref<104x128xf32, #tpu.memory_space<vmem>>
    %dma_wait3A_108 = arith.constant 0 : i32
    %dma_wait3A_109 = tpu.memref_slice %arg5[%dma_wait3A_101, %dma_wait3A_108] : memref<128x200xi32, #tpu.memory_space<vmem>> -> memref<1x104xi32, #tpu.memory_space<vmem>>
    %dma_wait3A_110 = tpu.memref_squeeze %dma_wait3A_109 : memref<1x104xi32, #tpu.memory_space<vmem>> -> memref<104xi32, #tpu.memory_space<vmem>>
    %dma_wait3A_111 = arith.constant 0 : i32
    %dma_wait3A_112 = arith.constant 0 : i32
    %dma_wait3A_113 = tpu.memref_slice %arg3[%dma_wait3A_111, %dma_wait3A_112] : memref<1000000x128xf32, #tpu.memory_space<hbm>> -> memref<1000000x128xf32, #tpu.memory_space<hbm>>
    %dma_wait3A_114 = tpu.memref_slice %arg7[%dma_wait3A_103] : memref<4x!tpu.dma_semaphore, #tpu.memory_space<semaphore_mem>> -> memref<1x!tpu.dma_semaphore, #tpu.memory_space<semaphore_mem>>
    %dma_wait3A_115 = tpu.memref_squeeze %dma_wait3A_114 : memref<1x!tpu.dma_semaphore, #tpu.memory_space<semaphore_mem>> -> memref<!tpu.dma_semaphore, #tpu.memory_space<semaphore_mem>>
    tpu.wait_indirect_dma semaphore(%dma_wait3A_115 : memref<!tpu.dma_semaphore, #tpu.memory_space<semaphore_mem>>) src(%dma_wait3A_113 : memref<1000000x128xf32, #tpu.memory_space<hbm>>) dst(%dma_wait3A_107 : memref<104x128xf32, #tpu.memory_space<vmem>>)
    %add3A_116 = arith.constant 127 : i32
    %add3A_117 = arith.addi %mul3A_2, %add3A_116 : i32
    %run_scoped3A_118 = arith.constant 2 : i32
    "tpu.region"() ({
      %run_scoped3A_137 = tpu.sem_alloc : memref<!tpu.dma_semaphore, #tpu.memory_space<semaphore_mem>>
      %dma_start3A_138 = arith.constant 0 : i32
      %dma_start3A_139 = arith.constant 0 : i32
      %dma_start3A_140 = tpu.memref_slice %arg6[%run_scoped3A_118, %dma_start3A_138, %dma_start3A_139] : memref<4x104x128xf32, #tpu.memory_space<vmem>> -> memref<1x104x64xf32, #tpu.memory_space<vmem>>
      %dma_start3A_141 = tpu.memref_squeeze %dma_start3A_140 : memref<1x104x64xf32, #tpu.memory_space<vmem>> -> memref<104x64xf32, #tpu.memory_space<vmem>>
      %dma_start3A_142 = arith.constant 0 : i32
      %dma_start3A_143 = arith.constant 0 : i32
      %dma_start3A_144 = tpu.memref_slice %arg4[%add3A_117, %dma_start3A_142, %dma_start3A_143] : memref<4096x200x128xf32, #tpu.memory_space<hbm>> -> memref<1x104x64xf32, #tpu.memory_space<hbm>>
      %dma_start3A_145 = tpu.memref_squeeze %dma_start3A_144 : memref<1x104x64xf32, #tpu.memory_space<hbm>> -> memref<104x64xf32, #tpu.memory_space<hbm>>
      %dma_start3A_146 = arith.constant 0 : i32
      %dma_start3A_147 = arith.constant 0 : i32
      %dma_start3A_148 = tpu.memref_slice %arg4[%add3A_117, %dma_start3A_146, %dma_start3A_147] : memref<4096x200x128xf32, #tpu.memory_space<hbm>> -> memref<1x104x64xf32, #tpu.memory_space<hbm>>
      %dma_start3A_149 = tpu.memref_squeeze %dma_start3A_148 : memref<1x104x64xf32, #tpu.memory_space<hbm>> -> memref<104x64xf32, #tpu.memory_space<hbm>>
      %dma_start3A_150 = arith.constant 0 : i32
      %dma_start3A_151 = arith.constant 0 : i32
      %dma_start3A_152 = tpu.memref_slice %arg6[%run_scoped3A_118, %dma_start3A_150, %dma_start3A_151] : memref<4x104x128xf32, #tpu.memory_space<vmem>> -> memref<1x104x64xf32, #tpu.memory_space<vmem>>
      %dma_start3A_153 = tpu.memref_squeeze %dma_start3A_152 : memref<1x104x64xf32, #tpu.memory_space<vmem>> -> memref<104x64xf32, #tpu.memory_space<vmem>>
      tpu.enqueue_dma source(%dma_start3A_153 : memref<104x64xf32, #tpu.memory_space<vmem>>) target(%dma_start3A_149 : memref<104x64xf32, #tpu.memory_space<hbm>>) target_semaphore(%run_scoped3A_137 : memref<!tpu.dma_semaphore, #tpu.memory_space<semaphore_mem>>)
      %dma_wait3A_154 = arith.constant 0 : i32
      %dma_wait3A_155 = arith.constant 0 : i32
      %dma_wait3A_156 = tpu.memref_slice %arg6[%run_scoped3A_118, %dma_wait3A_154, %dma_wait3A_155] : memref<4x104x128xf32, #tpu.memory_space<vmem>> -> memref<1x104x64xf32, #tpu.memory_space<vmem>>
      %dma_wait3A_157 = tpu.memref_squeeze %dma_wait3A_156 : memref<1x104x64xf32, #tpu.memory_space<vmem>> -> memref<104x64xf32, #tpu.memory_space<vmem>>
      %dma_wait3A_158 = arith.constant 0 : i32
      %dma_wait3A_159 = arith.constant 0 : i32
      %dma_wait3A_160 = tpu.memref_slice %arg4[%add3A_117, %dma_wait3A_158, %dma_wait3A_159] : memref<4096x200x128xf32, #tpu.memory_space<hbm>> -> memref<1x104x64xf32, #tpu.memory_space<hbm>>
      %dma_wait3A_161 = tpu.memref_squeeze %dma_wait3A_160 : memref<1x104x64xf32, #tpu.memory_space<hbm>> -> memref<104x64xf32, #tpu.memory_space<hbm>>
      %dma_wait3A_162 = arith.constant 0 : i32
      %dma_wait3A_163 = arith.constant 0 : i32
      %dma_wait3A_164 = tpu.memref_slice %arg4[%add3A_117, %dma_wait3A_162, %dma_wait3A_163] : memref<4096x200x128xf32, #tpu.memory_space<hbm>> -> memref<1x104x64xf32, #tpu.memory_space<hbm>>
      %dma_wait3A_165 = tpu.memref_squeeze %dma_wait3A_164 : memref<1x104x64xf32, #tpu.memory_space<hbm>> -> memref<104x64xf32, #tpu.memory_space<hbm>>
      %dma_wait3A_166 = arith.constant 0 : i32
      %dma_wait3A_167 = arith.constant 0 : i32
      %dma_wait3A_168 = tpu.memref_slice %arg6[%run_scoped3A_118, %dma_wait3A_166, %dma_wait3A_167] : memref<4x104x128xf32, #tpu.memory_space<vmem>> -> memref<1x104x64xf32, #tpu.memory_space<vmem>>
      %dma_wait3A_169 = tpu.memref_squeeze %dma_wait3A_168 : memref<1x104x64xf32, #tpu.memory_space<vmem>> -> memref<104x64xf32, #tpu.memory_space<vmem>>
      tpu.wait_dma2 semaphore(%run_scoped3A_137 : memref<!tpu.dma_semaphore, #tpu.memory_space<semaphore_mem>>) src(%dma_wait3A_169 : memref<104x64xf32, #tpu.memory_space<vmem>>) dst(%dma_wait3A_165 : memref<104x64xf32, #tpu.memory_space<hbm>>)
      tpu.yield
    }) : () -> ()
    %dma_wait3A_119 = arith.constant 127 : i32
    %dma_wait3A_120 = arith.constant 3 : i32
    %dma_wait3A_121 = arith.constant 3 : i32
    %dma_wait3A_122 = arith.constant 0 : i32
    %dma_wait3A_123 = arith.constant 0 : i32
    %dma_wait3A_124 = tpu.memref_slice %arg6[%dma_wait3A_120, %dma_wait3A_122, %dma_wait3A_123] : memref<4x104x128xf32, #tpu.memory_space<vmem>> -> memref<1x96x128xf32, #tpu.memory_space<vmem>>
    %dma_wait3A_125 = tpu.memref_squeeze %dma_wait3A_124 : memref<1x96x128xf32, #tpu.memory_space<vmem>> -> memref<96x128xf32, #tpu.memory_space<vmem>>
    %dma_wait3A_126 = arith.constant 104 : i32
    %dma_wait3A_127 = tpu.memref_slice %arg5[%dma_wait3A_119, %dma_wait3A_126] : memref<128x200xi32, #tpu.memory_space<vmem>> -> memref<1x96xi32, #tpu.memory_space<vmem>>
    %dma_wait3A_128 = tpu.memref_squeeze %dma_wait3A_127 : memref<1x96xi32, #tpu.memory_space<vmem>> -> memref<96xi32, #tpu.memory_space<vmem>>
    %dma_wait3A_129 = arith.constant 0 : i32
    %dma_wait3A_130 = arith.constant 0 : i32
    %dma_wait3A_131 = tpu.memref_slice %arg3[%dma_wait3A_129, %dma_wait3A_130] : memref<1000000x128xf32, #tpu.memory_space<hbm>> -> memref<1000000x128xf32, #tpu.memory_space<hbm>>
    %dma_wait3A_132 = tpu.memref_slice %arg7[%dma_wait3A_121] : memref<4x!tpu.dma_semaphore, #tpu.memory_space<semaphore_mem>> -> memref<1x!tpu.dma_semaphore, #tpu.memory_space<semaphore_mem>>
    %dma_wait3A_133 = tpu.memref_squeeze %dma_wait3A_132 : memref<1x!tpu.dma_semaphore, #tpu.memory_space<semaphore_mem>> -> memref<!tpu.dma_semaphore, #tpu.memory_space<semaphore_mem>>
    tpu.wait_indirect_dma semaphore(%dma_wait3A_133 : memref<!tpu.dma_semaphore, #tpu.memory_space<semaphore_mem>>) src(%dma_wait3A_131 : memref<1000000x128xf32, #tpu.memory_space<hbm>>) dst(%dma_wait3A_125 : memref<96x128xf32, #tpu.memory_space<vmem>>)
    %add3A_134 = arith.constant 127 : i32
    %add3A_135 = arith.addi %mul3A_2, %add3A_134 : i32
    %run_scoped3A_136 = arith.constant 3 : i32
    "tpu.region"() ({
      %run_scoped3A_137 = tpu.sem_alloc : memref<!tpu.dma_semaphore, #tpu.memory_space<semaphore_mem>>
      %dma_start3A_138 = arith.constant 0 : i32
      %dma_start3A_139 = arith.constant 0 : i32
      %dma_start3A_140 = tpu.memref_slice %arg6[%run_scoped3A_136, %dma_start3A_138, %dma_start3A_139] : memref<4x104x128xf32, #tpu.memory_space<vmem>> -> memref<1x96x64xf32, #tpu.memory_space<vmem>>
      %dma_start3A_141 = tpu.memref_squeeze %dma_start3A_140 : memref<1x96x64xf32, #tpu.memory_space<vmem>> -> memref<96x64xf32, #tpu.memory_space<vmem>>
      %dma_start3A_142 = arith.constant 104 : i32
      %dma_start3A_143 = arith.constant 0 : i32
      %dma_start3A_144 = tpu.memref_slice %arg4[%add3A_135, %dma_start3A_142, %dma_start3A_143] : memref<4096x200x128xf32, #tpu.memory_space<hbm>> -> memref<1x96x64xf32, #tpu.memory_space<hbm>>
      %dma_start3A_145 = tpu.memref_squeeze %dma_start3A_144 : memref<1x96x64xf32, #tpu.memory_space<hbm>> -> memref<96x64xf32, #tpu.memory_space<hbm>>
      %dma_start3A_146 = arith.constant 104 : i32
      %dma_start3A_147 = arith.constant 0 : i32
      %dma_start3A_148 = tpu.memref_slice %arg4[%add3A_135, %dma_start3A_146, %dma_start3A_147] : memref<4096x200x128xf32, #tpu.memory_space<hbm>> -> memref<1x96x64xf32, #tpu.memory_space<hbm>>
      %dma_start3A_149 = tpu.memref_squeeze %dma_start3A_148 : memref<1x96x64xf32, #tpu.memory_space<hbm>> -> memref<96x64xf32, #tpu.memory_space<hbm>>
      %dma_start3A_150 = arith.constant 0 : i32
      %dma_start3A_151 = arith.constant 0 : i32
      %dma_start3A_152 = tpu.memref_slice %arg6[%run_scoped3A_136, %dma_start3A_150, %dma_start3A_151] : memref<4x104x128xf32, #tpu.memory_space<vmem>> -> memref<1x96x64xf32, #tpu.memory_space<vmem>>
      %dma_start3A_153 = tpu.memref_squeeze %dma_start3A_152 : memref<1x96x64xf32, #tpu.memory_space<vmem>> -> memref<96x64xf32, #tpu.memory_space<vmem>>
      tpu.enqueue_dma source(%dma_start3A_153 : memref<96x64xf32, #tpu.memory_space<vmem>>) target(%dma_start3A_149 : memref<96x64xf32, #tpu.memory_space<hbm>>) target_semaphore(%run_scoped3A_137 : memref<!tpu.dma_semaphore, #tpu.memory_space<semaphore_mem>>)
      %dma_wait3A_154 = arith.constant 0 : i32
      %dma_wait3A_155 = arith.constant 0 : i32
      %dma_wait3A_156 = tpu.memref_slice %arg6[%run_scoped3A_136, %dma_wait3A_154, %dma_wait3A_155] : memref<4x104x128xf32, #tpu.memory_space<vmem>> -> memref<1x96x64xf32, #tpu.memory_space<vmem>>
      %dma_wait3A_157 = tpu.memref_squeeze %dma_wait3A_156 : memref<1x96x64xf32, #tpu.memory_space<vmem>> -> memref<96x64xf32, #tpu.memory_space<vmem>>
      %dma_wait3A_158 = arith.constant 104 : i32
      %dma_wait3A_159 = arith.constant 0 : i32
      %dma_wait3A_160 = tpu.memref_slice %arg4[%add3A_135, %dma_wait3A_158, %dma_wait3A_159] : memref<4096x200x128xf32, #tpu.memory_space<hbm>> -> memref<1x96x64xf32, #tpu.memory_space<hbm>>
      %dma_wait3A_161 = tpu.memref_squeeze %dma_wait3A_160 : memref<1x96x64xf32, #tpu.memory_space<hbm>> -> memref<96x64xf32, #tpu.memory_space<hbm>>
      %dma_wait3A_162 = arith.constant 104 : i32
      %dma_wait3A_163 = arith.constant 0 : i32
      %dma_wait3A_164 = tpu.memref_slice %arg4[%add3A_135, %dma_wait3A_162, %dma_wait3A_163] : memref<4096x200x128xf32, #tpu.memory_space<hbm>> -> memref<1x96x64xf32, #tpu.memory_space<hbm>>
      %dma_wait3A_165 = tpu.memref_squeeze %dma_wait3A_164 : memref<1x96x64xf32, #tpu.memory_space<hbm>> -> memref<96x64xf32, #tpu.memory_space<hbm>>
      %dma_wait3A_166 = arith.constant 0 : i32
      %dma_wait3A_167 = arith.constant 0 : i32
      %dma_wait3A_168 = tpu.memref_slice %arg6[%run_scoped3A_136, %dma_wait3A_166, %dma_wait3A_167] : memref<4x104x128xf32, #tpu.memory_space<vmem>> -> memref<1x96x64xf32, #tpu.memory_space<vmem>>
      %dma_wait3A_169 = tpu.memref_squeeze %dma_wait3A_168 : memref<1x96x64xf32, #tpu.memory_space<vmem>> -> memref<96x64xf32, #tpu.memory_space<vmem>>
      tpu.wait_dma2 semaphore(%run_scoped3A_137 : memref<!tpu.dma_semaphore, #tpu.memory_space<semaphore_mem>>) src(%dma_wait3A_169 : memref<96x64xf32, #tpu.memory_space<vmem>>) dst(%dma_wait3A_165 : memref<96x64xf32, #tpu.memory_space<hbm>>)
      tpu.yield
    }) : () -> ()
    return
  }
}

</mosaic_0001>

<sc_bundles>
// kernel: kernel.3.cloned.1.call-start
scs
__scs_entry_jumppad:
0x0: {  	(pc) =	sbr.rel $0x88, $3  }
0x1: {  	(tag) =	ssettag $0x0;
	lr =	simm.s32 $0x1  }
0x2: {  	[smem:$0x3F9F] =	sst lr;
	_ =	strace $0xD0000000  }
0x3: {  	_ = 	snop  }
0x4: {  	_ = 	snop  }
0x5: {  	_ = 	snop  }
0x6: {  	_ = 	snop  }
0x7: {  	_ = 	snop  }
__scs_overlays_trampoline_lowered:
0x8: {  	[smem:$0x3FAE] =	sst s0  }
0x9: {  	[smem:$0x3FAF] =	sst s1  }
0xa: {  	[smem:$0x3FB0] =	sst s2  }
0xb: {  	[smem:$0x3FB1] =	sst s3  }
0xc: {  	[smem:$0x3FB2] =	sst s4  }
0xd: {  	[smem:$0x3FB3] =	sst s5  }
0xe: {  	[smem:$0x3FB4] =	sst s6  }
0xf: {  	[smem:$0x3FB5] =	sst s7  }
0x10: {  	[smem:$0x3FB6] =	sst s8  }
0x11: {  	[smem:$0x3FB7] =	sst s9;
	s0 =	simm.s32 @!p0 $0x0  }
0x12: {  	s1 =	sld [smem:$0x3F9D];
	s0 =	simm.s32 @p0 $0x1  }
0x13: {  	[smem:$0x3FB8] =	sst s0;
	s0 =	simm.s32 @!p1 $0x0  }
0x14: {  	s2 =	sld [smem:$0x3F9C];
	s0 =	simm.s32 @p1 $0x1  }
0x15: {  	[smem:$0x3FB9] =	sst s0;
	s0 =	simm.s32 @!p2 $0x0  }
0x16: {  	s3 =	sld [smem:$0x3FDB];
	s0 =	simm.s32 @p2 $0x1  }
0x17: {  	s4 =	simm.s32 $0x1BF5;
	[smem:$0x3FBB] =	sst s0  }
0x18: {  	s0 =	sld [smem:$0x3F9E];
	_ =	swait.ge [sflag:s4], $0x0  }
0x19: {  	s7 =	sld [smem:$0x3F9F]  }
0x1a: {  	s8 =	sadd.s32 $0xFFFFE003, lr  }
0x1b: {  	s9 =	sadd.s32 $0xFFFFFEF7, lr;
	s5 =	simm.s32 $0xFFFFFFFF;
	p2 =	slt.u32 s8, $0xFFFFF086  }
0x1c: {  	p1 =	slt.u32 s9, $0xF7A;
	s5 =	simm.s32 @!p2 $0x0  }
0x1d: {  	s5 =	simm.s32 @p1 $0x1;
	p0 =	seq.s32 s7, s2  }
0x1e: {  	s7 =	smul.u32 @!p0 $0xF7A, s2;
	p2 =	seq.s32 @!p0 s5, $0x0  }
0x1f: {  	s9 =	smul.u32 $0xF7A, s1;
	s8 =	simm.s32 @!p0 $0x1BF5;
	p2 =	por !p2, p0  }
0x20: {  	[sflag:s8] =	ssyncset.s32 @!p0 $0xFFFFF086;
	s6 =	sadd.s32 @!p0 s3, s7;
	s7 =	simm.s32 @!p0 $0x108  }
0x21: {  	s3 =	sadd.s32 s3, s9;
	s6 =	sadd.s32 @!p0 $0x88, s6;
	s7 =	simm.s32 @p2 $0x1082  }
0x22: {  	[simem:s7], [sflag:s8] =	dma.local @!p0 [hbm:s6], $0xF7A  }
0x23: {  	s9 =	sor.u32 $0xD0000000, s2;
	s6 =	simm.s32 $0x108;
	_ =	swait.ge @!p0 [sflag:s8], $0x0  }
0x24: {  	s3 =	sadd.s32 $0x88, s3;
	s6 =	simm.s32 @!p1 $0x1082;
	[sflag:s4] =	ssyncset.s32 $0xFFFFF086  }
0x25: {  	[simem:s6], [sflag:s4] =	dma.local [hbm:s3], $0xF7A  }
0x26: {  	[smem:$0x3F9F] =	sst s1;
	(tag) =	ssettag s2;
	_ =	strace s9  }
0x27: {  	s1 =	sld [smem:$0x3FAF]  }
0x28: {  	s2 =	sld [smem:$0x3FB0]  }
0x29: {  	s4 =	sld [smem:$0x3FB2]  }
0x2a: {  	p0 =	seq.s32 s5, $0x0;
	s5 =	sld [smem:$0x3FB3]  }
0x2b: {  	s6 =	sld [smem:$0x3FB4]  }
0x2c: {  	s7 =	sld [smem:$0x3FB5]  }
0x2d: {  	s3 =	simm.s32 $0x108;
	s8 =	sld [smem:$0x3FB6]  }
0x2e: {  	s3 =	simm.s32 @!p0 $0x1082;
	s9 =	sld [smem:$0x3FB7]  }
0x2f: {  	lr =	sadd.s32 s0, s3;
	s0 =	sld [smem:$0x3FAE]  }
0x30: {  	s3 =	sld [smem:$0x3FB1]  }
0x31: {  	[smem:$0x3FBA] =	sst s10  }
0x32: {  	s10 =	sld [smem:$0x3FB8];
	_ =	sdelay $0x3  }
0x33: {  	p0 =	seq.s32 s10, $0x1;
	s10 =	sld [smem:$0x3FBA];
	_ =	sdelay $0x3  }
0x34: {  	[smem:$0x3FBA] =	sst s10  }
0x35: {  	s10 =	sld [smem:$0x3FB9];
	_ =	sdelay $0x3  }
0x36: {  	p1 =	seq.s32 s10, $0x1;
	s10 =	sld [smem:$0x3FBA];
	_ =	sdelay $0x3  }
0x37: {  	[smem:$0x3FBA] =	sst s10  }
0x38: {  	s10 =	sld [smem:$0x3FBB]  }
0x39: {  	_ = 	snop;
	(pc) =	sbr.ind lr, $3  }
0x3a: {  	_ = 	snop  }
0x3b: {  	_ = 	snop  }
0x3c: {  	p2 =	seq.s32 s10, $0x1;
	s10 =	sld [smem:$0x3FBA]  }
0x3d: {  	_ =	shalt  }
0x3e: {  	_ =	shalt  }
0x3f: {  	_ =	shalt  }
0x40: {  	_ =	shalt  }
0x41: {  	_ =	shalt  }
0x42: {  	_ =	shalt  }
0x43: {  	_ =	shalt  }
0x44: {  	_ =	shalt  }
0x45: {  	_ =	shalt  }
0x46: {  	_ =	shalt  }
0x47: {  	_ =	shalt  }
0x48: {  	_ =	shalt  }
0x49: {  	_ =	shalt  }
0x4a: {  	_ =	shalt  }
0x4b: {  	_ =	shalt  }
0x4c: {  	_ =	shalt  }
0x4d: {  	_ =	shalt  }
0x4e: {  	_ =	shalt  }
0x4f: {  	_ =	shalt  }
0x50: {  	_ =	shalt  }
0x51: {  	_ =	shalt  }
0x52: {  	_ =	shalt  }
0x53: {  	_ =	shalt  }
0x54: {  	_ =	shalt  }
0x55: {  	_ =	shalt  }
0x56: {  	_ =	shalt  }
0x57: {  	_ =	shalt  }
0x58: {  	_ =	shalt  }
0x59: {  	_ =	shalt  }
0x5a: {  	_ =	shalt  }
0x5b: {  	_ =	shalt  }
0x5c: {  	_ =	shalt  }
0x5d: {  	_ =	shalt  }
0x5e: {  	_ =	shalt  }
0x5f: {  	_ =	shalt  }
0x60: {  	_ =	shalt  }
0x61: {  	_ =	shalt  }
0x62: {  	_ =	shalt  }
0x63: {  	_ =	shalt  }
0x64: {  	_ =	shalt  }
0x65: {  	_ =	shalt  }
0x66: {  	_ =	shalt  }
0x67: {  	_ =	shalt  }
0x68: {  	_ =	shalt  }
0x69: {  	_ =	shalt  }
0x6a: {  	_ =	shalt  }
0x6b: {  	_ =	shalt  }
0x6c: {  	_ =	shalt  }
0x6d: {  	_ =	shalt  }
0x6e: {  	_ =	shalt  }
0x6f: {  	_ =	shalt  }
0x70: {  	_ =	shalt  }
0x71: {  	_ =	shalt  }
0x72: {  	_ =	shalt  }
0x73: {  	_ =	shalt  }
0x74: {  	_ =	shalt  }
0x75: {  	_ =	shalt  }
0x76: {  	_ =	shalt  }
0x77: {  	_ =	shalt  }
0x78: {  	_ =	shalt  }
0x79: {  	_ =	shalt  }
0x7a: {  	_ =	shalt  }
0x7b: {  	_ =	shalt  }
0x7c: {  	_ =	shalt  }
0x7d: {  	_ =	shalt  }
0x7e: {  	_ =	shalt  }
0x7f: {  	_ =	shalt  }
0x80: {  	_ =	shalt  }
0x81: {  	_ =	shalt  }
0x82: {  	_ =	shalt  }
0x83: {  	_ =	shalt  }
0x84: {  	_ =	shalt  }
0x85: {  	_ =	shalt  }
0x86: {  	_ =	shalt  }
0x87: {  	_ =	shalt  }
.Lfunc_end0:
.L_simem_size_0:
called_computation.1_lowered:
.L_overlay_start_0:
0x88: {  	s2 =	sld [smem:$0x3FD9]  }
0x89: {  	s3 =	sld [smem:$0x3FFE];
	_ =	sdelay $0x1  }
0x8a: {  	s1 =	srdreg.scid  }
0x8b: {  	s0 =	sand.u32 $0x1, s1  }
0x8c: {  	s17 =	sshll.u32 s0, $0xA;
	s2 =	sadd.s32 s3, s2  }
0x8d: {  	s2 =	sadd.s32 s2, s17  }
0x8e: {  	[smem:$0x3FC6] =	sst s2  }
0x8f: {  	_ = 	snop  }
0x90: {  	s2 =	sld [smem:$0x3FD0];
	(tm) =	ssettm $0x1  }
0x91: {  	s18 =	sld [smem:$0x3FFB];
	_ =	sdelay $0x3  }
0x92: {  	_ =	strace s18  }
0x93: {  	s3 =	sld [smem:$0x3FFC];
	_ =	sdelay $0x3  }
0x94: {  	_ =	strace s3  }
0x95: {  	s3 =	sld [smem:$0x3FFD];
	_ =	sdelay $0x3  }
0x96: {  	_ =	strace s3  }
0x97: {  	_ =	strace $0x8FFFFFFF  }
0x98: {  	s19 =	sld [smem:$0x3FDB];
	_ =	sdelay $0x1  }
0x99: {  	s4 =	simm.s32 $_scs_section_size  }
0x9a: {  	s5 =	simm.s32 $_size__tile_overlayer_lowered;
	s6 =	simm.s32 $_tile_overlayer_lowered  }
0x9b: {  	s22 =	simm.s32 $0x1BFF;
	s21 =	sshll.u32 s6, $0x1;
	s3 =	sadd.s32 s4, s19  }
0x9c: {  	s7 =	simm.s32 $0x0;
	s20 =	sshll.u32 s5, $0x1;
	s5 =	sadd.s32 s21, s3  }
0x9d: {  	[timem:s7], [sflag:s22] =	dma.local [hbm:s5], s20  }
0x9e: {  	_ =	swait.ge [sflag:s22], s20  }
0x9f: {  	s4 =	ssub.s32 $0x0, s20;
	[sflag:s22] =	ssyncset.done $0x0  }
0xa0: {  	[sflag:s22] =	ssyncadd.s32 s4;
	_ =	sdelay $0x1  }
0xa1: {  	s23 =	simm.s32 $0x1B8B  }
0xa2: {  	_ =	swait.ge [sflag:s23], $0x1  }
0xa3: {  	[sflag:s23] =	ssyncset.done $0x0  }
0xa4: {  	s25 =	simm.s32 $0x1B8E;
	s24 =	sld [smem:$0x3FFE];
	[sflag:s23] =	ssyncadd.s32 $0xFFFFFFFF  }
0xa5: {  	s26 =	simm.s32 $execute0_lowered;
	[smem:$0x3FD2] =	sst s25  }
0xa6: {  	s5 =	sshll.u32 s26, $0x1;
	_ =	strace $0x80000046;
	[dreg:$0x1] =	wrdreg $0xFFFFFFFF  }
0xa7: {  	s28 =	simm.s32 $_size_execute0_lowered;
	s3 =	sadd.s32 s3, s5;
	[dreg:$0x0] =	wrdreg $0x0  }
0xa8: {  	s5 =	sshll.u32 s28, $0x1;
	[dreg:$0x2] =	wrdreg s3  }
0xa9: {  	[dreg:$0x3] =	wrdreg s5  }
0xaa: {  	[dreg:$0x4] =	wrdreg $0xC0  }
0xab: {  	_ =	task [dreg:s7], $0x5FFFF  }
0xac: {  	[dreg:$0x1] =	wrdreg $0xFFFFFFFF  }
0xad: {  	[dreg:$0x0] =	wrdreg $0x60  }
0xae: {  	[dreg:$0x2] =	wrdreg s2  }
0xaf: {  	[dreg:$0x3] =	wrdreg s24  }
0xb0: {  	[dreg:$0x4] =	wrdreg $0x9  }
0xb1: {  	_ =	task.clear_ibuf [dreg:s7], $0x5FFFF;
	_ =	strace $0x90000046  }
0xb2: {  	s29 =	simm.s32 $0x9;
	_ =	strace $0x80000048  }
0xb3: {  	_ =	swait.ge [sflag:s29], $0x1  }
0xb4: {  	[sflag:s29] =	ssyncadd.s32 $0xFFFFFFFF  }
0xb5: {  	_ =	strace $0x90000048  }
0xb6: {  	_ =	sfence  }
0xb7: {  	s30 =	sld [smem:$0x0];
	_ =	sdelay $0x2  }
0xb8: {  	s31 =	sshll.u32 s1, $0xD;
	s1 =	sshrl.u32 s1, $0x2  }
0xb9: {  	s3 =	sand.u32 $0x4000, s31;
	s1 =	sadd.s32 s1, s30  }
0xba: {  	s0 =	sor.u32 s3, s0;
	s1 =	sshll.u32 s1, $0x11  }
0xbb: {  	s0 =	sor.u32 s1, s0  }
0xbc: {  	s0 =	sadd.s32 $0x8F2B, s0  }
0xbd: {  	[sflag:s0] =	ssyncadd.remote.s32 $0x1  }
0xbe: {  	_ =	sfence.sel $0xFFFF  }
0xbf: {  	[dreg:$0x0] =	wrdreg $0xFFFFFFFF;
	(pc) =	sbr.abs _section_cstart, $3  }
0xc0: {  	[dreg:$0x1] =	wrdreg $0xFFFFFFFF  }
0xc1: {  	_ =	task.clear_ibuf [dreg:s7], $0x2FFFF;
	_ =	strace $0x9FFFFFFF  }
0xc2: {  	(tm) =	ssettm $0x7FFFFFFF  }
0xc3: {  	_ =	shalt  }
tec
execute0_lowered:
.L_overlay_start_1:
0x0: {  	(tag) =	ssettag $0x1  }
0x1: {  	s0 =	srdreg.scid;
	s1 =	rddreg [dreg:$0x0]  }
0x2: {  	s2 =	stileid.u32;
	s5 =	rddreg [dreg:$0x1];
	s12 =	simm.s32 $0x5  }
0x3: {  	s13 =	simm.s32 $0x68;
	s14 =	simm.s32 $0x6400;
	s15 =	simm.s32 $0x60  }
0x4: {  	s16 =	simm.s32 $0x9800;
	s18 =	simm.s32 $0xCC00;
	s20 =	simm.s32 $0x10000  }
0x5: {  	s21 =	simm.s32 $0x1;
	s22 =	simm.s32 $0x2;
	s0 =	sand.u32 $0x1, s0  }
0x6: {  	s23 =	simm.s32 $0x3;
	s3 =	sshll.u32 s2, $0x8;
	s4 =	sshll.u32 s0, $0x7  }
0x7: {  	s24 =	simm.s32 $0x4;
	s2 =	simm.s32 $0x0;
	s3 =	sor.u32 s4, s3  }
0x8: {  	s25 =	simm.s32 $0x0;
	[smem:$0x7FF] =	sst s2;
	s6 =	smul.u32 $0x6400, s3  }
0x9: {  	s0 =	ssub.s32 $0x2, s0;
	_ =	strace $0x80000047;
	s4 =	sadd.s32 $0xA00, s5  }
0xa: {  	s8 =	sshrl.u32 s0, $0x1;
	s7 =	smul.u32 $0x19, s3;
	s6 =	sshrl.u32 s6, $0x3  }
0xb: {  	s5 =	sadd.s32 $0xF42E00, s5;
	s0 =	ssub.s32 s0, s8;
	s10 =	sadd.s32 s4, s6  }
0xc: {  	s11 =	smax.u32 s0, $0x1;
	s6 =	sadd.s32 s1, s7;
	s7 =	sadd.s32 $0x62700, s10  }
0xd: {  	s8 =	sadd.s32 $0x62D80, s10;
	s9 =	sadd.s32 $0x63380, s10;
	s10 =	sadd.s32 $0x63A00, s10  }
.LBB2_1:
0xe: {  	[tilespmem:s2], [sflag:$0x5] =	stream.linear.gather [hbm4b:s6+s2], $0x6400, $0x38;
	[tilespmem:$0x13400] =	vst v63  }
0xf: {  	_ =	swait.ge [sflag:s12], $0x6400  }
0x10: {  	[sflag:s12] =	ssyncset.done $0x0  }
0x11: {  	[sflag:s12] =	ssyncadd.s32 $0xFFFF9C00  }
0x12: {  	[tilespmem:s14], [sflag:$0x1] =	stream.indirect.gather [hbm4b:s5+s13], $0x80, s2, s13, $0xb8;
	[tilespmem:$0x13400] =	vst v63  }
0x13: {  	_ = 	snop  }
0x14: {  	[tilespmem:s16], [sflag:$0x2] =	stream.indirect.gather [hbm4b:s5+s15], $0x80, s13, s15, $0xb8;
	[tilespmem:$0x13400] =	vst v63  }
0x15: {  	s0 =	simm.s32 $0xC8  }
0x16: {  	[tilespmem:s18], [sflag:$0x3] =	stream.indirect.gather [hbm4b:s5+s13], $0x80, s0, s13, $0xb8;
	[tilespmem:$0x13400] =	vst v63  }
0x17: {  	s31 =	simm.s32 $0x130;
	s26 =	simm.s32 $0x0  }
0x18: {  	[tilespmem:s20], [sflag:$0x4] =	stream.indirect.gather [hbm4b:s5+s15], $0x80, s31, s15, $0xb8;
	[tilespmem:$0x13400] =	vst v63  }
.LBB2_2:
0x19: {  	s0 =	sshll.u32 s26, $0x1  }
0x1a: {  	s28 =	sor.u32 s3, s0  }
0x1b: {  	s0 =	smul.u32 $0xC80, s28  }
0x1c: {  	_ =	swait.ge [sflag:s21], $0x3400;
	s30 =	simm.s32 $0x6400  }
0x1d: {  	s1 =	simm.s32 $0x10;
	[sflag:s21] =	ssyncset.done $0x0;
	s29 =	sadd.s32 s4, s0  }
0x1e: {  	[sflag:s21] =	ssyncadd.s32 $0xFFFFCC00;
	s0 =	simm.s32 $0x6480;
	s17 =	sadd.s32 $0x0, s29  }
.LBB2_3:
0x1f: {  	[hbm4b:s17+s2] =	stream.linear.scatter [tilespmem:s30], [sflag:$0x5], $0x40, $0x38;
	[tilespmem:$0x13400] =	vst v63  }
0x20: {  	s17 =	smov.u32 s1;
	s30 =	smov.u32 s0;
	p0 =	sne.s32 s1, $0x670  }
.Ltmp0:
0x21: {  	s1 =	sadd.s32 $0x10, s1;
	(pc) =	sbr.rel @p0 .LBB2_3-.Ltmp0, $2  }
0x22: {  	_ =	sdelay $0x2  }
0x23: {  	s0 =	sadd.s32 $0x80, s0;
	s17 =	sadd.s32 s17, s29  }
0x24: {  	[hbm4b:s17+s2] =	stream.linear.scatter [tilespmem:s30], [sflag:$0x5], $0x40, $0x38;
	[tilespmem:$0x13400] =	vst v63  }
0x25: {  	s0 =	smul.u32 $0x640, s26  }
0x26: {  	s19 =	smul.u32 $0x6400, s28;
	_ =	swait.ge [sflag:s12], $0x1A00  }
0x27: {  	s29 =	sshll.u32 s26, $0x2;
	[sflag:s12] =	ssyncset.done $0x0;
	s0 =	sadd.s32 $0x640, s0  }
0x28: {  	[sflag:s12] =	ssyncadd.s32 $0xFFFFE600;
	s30 =	sshra.s32 s0, $0x2;
	s0 =	sshrl.u32 s19, $0x3  }
0x29: {  	[tilespmem:s14], [sflag:$0x1] =	stream.indirect.gather [hbm4b:s5+s13], $0x80, s30, s13, $0xb8;
	[tilespmem:$0x13400] =	vst v63  }
0x2a: {  	s1 =	simm.s32 $0x9800;
	s0 =	sadd.s32 s4, s0;
	_ =	swait.ge [sflag:s22], $0x3000  }
0x2b: {  	s17 =	simm.s32 $0x9880;
	s31 =	sadd.s32 $0x680, s0;
	[sflag:s22] =	ssyncset.done $0x0  }
0x2c: {  	s0 =	simm.s32 $0x10;
	s19 =	sadd.s32 $0x0, s31;
	[sflag:s22] =	ssyncadd.s32 $0xFFFFD000  }
.LBB2_5:
0x2d: {  	[hbm4b:s19+s2] =	stream.linear.scatter [tilespmem:s1], [sflag:$0x5], $0x40, $0x38;
	[tilespmem:$0x13400] =	vst v63  }
0x2e: {  	s19 =	smov.u32 s0;
	s1 =	smov.u32 s17;
	p0 =	sne.s32 s0, $0x5F0  }
.Ltmp1:
0x2f: {  	s0 =	sadd.s32 $0x10, s0;
	(pc) =	sbr.rel @p0 .LBB2_5-.Ltmp1, $2  }
0x30: {  	_ =	sdelay $0x2  }
0x31: {  	s17 =	sadd.s32 $0x80, s17;
	s19 =	sadd.s32 s19, s31  }
0x32: {  	[hbm4b:s19+s2] =	stream.linear.scatter [tilespmem:s1], [sflag:$0x5], $0x40, $0x38;
	[tilespmem:$0x13400] =	vst v63  }
0x33: {  	_ =	swait.ge [sflag:s12], $0x1800  }
0x34: {  	s28 =	sor.u32 $0x1, s28;
	[sflag:s12] =	ssyncset.done $0x0  }
0x35: {  	s0 =	sadd.s32 $0x68, s30;
	s31 =	smul.u32 $0xC80, s28;
	[sflag:s12] =	ssyncadd.s32 $0xFFFFE800  }
0x36: {  	[tilespmem:s16], [sflag:$0x2] =	stream.indirect.gather [hbm4b:s5+s15], $0x80, s0, s15, $0xb8;
	[tilespmem:$0x13400] =	vst v63  }
0x37: {  	s1 =	simm.s32 $0xCC00;
	_ =	swait.ge [sflag:s23], $0x3400  }
0x38: {  	s17 =	simm.s32 $0xCC80;
	s30 =	sadd.s32 s4, s31;
	[sflag:s23] =	ssyncset.done $0x0  }
0x39: {  	s0 =	simm.s32 $0x10;
	s19 =	sadd.s32 $0x0, s30;
	[sflag:s23] =	ssyncadd.s32 $0xFFFFCC00  }
.LBB2_7:
0x3a: {  	[hbm4b:s19+s2] =	stream.linear.scatter [tilespmem:s1], [sflag:$0x5], $0x40, $0x38;
	[tilespmem:$0x13400] =	vst v63  }
0x3b: {  	s19 =	smov.u32 s0;
	s1 =	smov.u32 s17;
	p0 =	sne.s32 s0, $0x670  }
.Ltmp2:
0x3c: {  	s0 =	sadd.s32 $0x10, s0;
	(pc) =	sbr.rel @p0 .LBB2_7-.Ltmp2, $2  }
0x3d: {  	_ =	sdelay $0x2  }
0x3e: {  	s17 =	sadd.s32 $0x80, s17;
	s19 =	sadd.s32 s19, s30  }
0x3f: {  	[hbm4b:s19+s2] =	stream.linear.scatter [tilespmem:s1], [sflag:$0x5], $0x40, $0x38;
	[tilespmem:$0x13400] =	vst v63  }
0x40: {  	s0 =	sadd.s32 $0x6, s29  }
0x41: {  	s31 =	smul.u32 $0x6400, s28;
	s0 =	sshrl.u32 s0, $0x1  }
0x42: {  	_ =	swait.ge [sflag:s12], $0x1A00;
	s0 =	smul.u32 $0x320, s0  }
0x43: {  	[sflag:s12] =	ssyncset.done $0x0  }
0x44: {  	[sflag:s12] =	ssyncadd.s32 $0xFFFFE600;
	s29 =	sshra.s32 s0, $0x2;
	s0 =	sshrl.u32 s31, $0x3  }
0x45: {  	[tilespmem:s18], [sflag:$0x3] =	stream.indirect.gather [hbm4b:s5+s13], $0x80, s29, s13, $0xb8;
	[tilespmem:$0x13400] =	vst v63  }
0x46: {  	s1 =	simm.s32 $0x10000;
	s0 =	sadd.s32 s4, s0;
	_ =	swait.ge [sflag:s24], $0x3000  }
0x47: {  	s17 =	simm.s32 $0x10080;
	s28 =	sadd.s32 $0x680, s0;
	[sflag:s24] =	ssyncset.done $0x0  }
0x48: {  	s0 =	simm.s32 $0x10;
	s19 =	sadd.s32 $0x0, s28;
	[sflag:s24] =	ssyncadd.s32 $0xFFFFD000  }
.LBB2_9:
0x49: {  	[hbm4b:s19+s2] =	stream.linear.scatter [tilespmem:s1], [sflag:$0x5], $0x40, $0x38;
	[tilespmem:$0x13400] =	vst v63  }
0x4a: {  	s19 =	smov.u32 s0;
	s1 =	smov.u32 s17;
	p0 =	sne.s32 s0, $0x5F0  }
.Ltmp3:
0x4b: {  	s0 =	sadd.s32 $0x10, s0;
	(pc) =	sbr.rel @p0 .LBB2_9-.Ltmp3, $2  }
0x4c: {  	_ =	sdelay $0x2  }
0x4d: {  	s17 =	sadd.s32 $0x80, s17;
	s19 =	sadd.s32 s19, s28  }
0x4e: {  	[hbm4b:s19+s2] =	stream.linear.scatter [tilespmem:s1], [sflag:$0x5], $0x40, $0x38;
	[tilespmem:$0x13400] =	vst v63  }
0x4f: {  	s26 =	sadd.s32 $0x1, s26  }
0x50: {  	p0 =	sne.s32 s26, $0x3F  }
.Ltmp4:
0x51: {  	_ = 	snop;
	(pc) =	sbr.rel @p0 .LBB2_2-.Ltmp4, $4  }
0x52: {  	_ =	swait.ge [sflag:s12], $0x1800  }
0x53: {  	[sflag:s12] =	ssyncset.done $0x0  }
0x54: {  	s0 =	sadd.s32 $0x68, s29;
	[sflag:s12] =	ssyncadd.s32 $0xFFFFE800  }
0x55: {  	[tilespmem:s20], [sflag:$0x4] =	stream.indirect.gather [hbm4b:s5+s15], $0x80, s0, s15, $0xb8;
	[tilespmem:$0x13400] =	vst v63  }
0x56: {  	_ =	swait.ge [sflag:s21], $0x3400  }
0x57: {  	s1 =	simm.s32 $0x6400;
	s0 =	simm.s32 $0x10;
	[sflag:s21] =	ssyncset.done $0x0  }
0x58: {  	s19 =	sadd.s32 $0x0, s7;
	s17 =	simm.s32 $0x6480;
	[sflag:s21] =	ssyncadd.s32 $0xFFFFCC00  }
.LBB2_12:
0x59: {  	[hbm4b:s19+s2] =	stream.linear.scatter [tilespmem:s1], [sflag:$0x5], $0x40, $0x38;
	[tilespmem:$0x13400] =	vst v63  }
0x5a: {  	s19 =	smov.u32 s0;
	s1 =	smov.u32 s17;
	p0 =	sne.s32 s0, $0x670  }
.Ltmp5:
0x5b: {  	s0 =	sadd.s32 $0x10, s0;
	(pc) =	sbr.rel @p0 .LBB2_12-.Ltmp5, $2  }
0x5c: {  	_ =	sdelay $0x2  }
0x5d: {  	s17 =	sadd.s32 $0x80, s17;
	s19 =	sadd.s32 s19, s7  }
0x5e: {  	[hbm4b:s19+s2] =	stream.linear.scatter [tilespmem:s1], [sflag:$0x5], $0x40, $0x38;
	[tilespmem:$0x13400] =	vst v63  }
0x5f: {  	_ =	swait.ge [sflag:s12], $0x1A00  }
0x60: {  	[sflag:s12] =	ssyncset.done $0x0  }
0x61: {  	[sflag:s12] =	ssyncadd.s32 $0xFFFFE600  }
0x62: {  	_ =	swait.ge [sflag:s22], $0x3000  }
0x63: {  	s1 =	simm.s32 $0x9800;
	s0 =	simm.s32 $0x10;
	[sflag:s22] =	ssyncset.done $0x0  }
0x64: {  	s19 =	sadd.s32 $0x0, s8;
	s17 =	simm.s32 $0x9880;
	[sflag:s22] =	ssyncadd.s32 $0xFFFFD000  }
.LBB2_14:
0x65: {  	[hbm4b:s19+s2] =	stream.linear.scatter [tilespmem:s1], [sflag:$0x5], $0x40, $0x38;
	[tilespmem:$0x13400] =	vst v63  }
0x66: {  	s19 =	smov.u32 s0;
	s1 =	smov.u32 s17;
	p0 =	sne.s32 s0, $0x5F0  }
.Ltmp6:
0x67: {  	s0 =	sadd.s32 $0x10, s0;
	(pc) =	sbr.rel @p0 .LBB2_14-.Ltmp6, $2  }
0x68: {  	_ =	sdelay $0x2  }
0x69: {  	s17 =	sadd.s32 $0x80, s17;
	s19 =	sadd.s32 s19, s8  }
0x6a: {  	[hbm4b:s19+s2] =	stream.linear.scatter [tilespmem:s1], [sflag:$0x5], $0x40, $0x38;
	[tilespmem:$0x13400] =	vst v63  }
0x6b: {  	_ =	swait.ge [sflag:s12], $0x1800  }
0x6c: {  	[sflag:s12] =	ssyncset.done $0x0  }
0x6d: {  	[sflag:s12] =	ssyncadd.s32 $0xFFFFE800  }
0x6e: {  	_ =	swait.ge [sflag:s23], $0x3400  }
0x6f: {  	s1 =	simm.s32 $0xCC00;
	s0 =	simm.s32 $0x10;
	[sflag:s23] =	ssyncset.done $0x0  }
0x70: {  	s19 =	sadd.s32 $0x0, s9;
	s17 =	simm.s32 $0xCC80;
	[sflag:s23] =	ssyncadd.s32 $0xFFFFCC00  }
.LBB2_16:
0x71: {  	[hbm4b:s19+s2] =	stream.linear.scatter [tilespmem:s1], [sflag:$0x5], $0x40, $0x38;
	[tilespmem:$0x13400] =	vst v63  }
0x72: {  	s19 =	smov.u32 s0;
	s1 =	smov.u32 s17;
	p0 =	sne.s32 s0, $0x670  }
.Ltmp7:
0x73: {  	s0 =	sadd.s32 $0x10, s0;
	(pc) =	sbr.rel @p0 .LBB2_16-.Ltmp7, $2  }
0x74: {  	_ =	sdelay $0x2  }
0x75: {  	s17 =	sadd.s32 $0x80, s17;
	s19 =	sadd.s32 s19, s9  }
0x76: {  	[hbm4b:s19+s2] =	stream.linear.scatter [tilespmem:s1], [sflag:$0x5], $0x40, $0x38;
	[tilespmem:$0x13400] =	vst v63  }
0x77: {  	_ =	swait.ge [sflag:s12], $0x1A00  }
0x78: {  	[sflag:s12] =	ssyncset.done $0x0  }
0x79: {  	[sflag:s12] =	ssyncadd.s32 $0xFFFFE600  }
0x7a: {  	_ =	swait.ge [sflag:s24], $0x3000  }
0x7b: {  	s1 =	simm.s32 $0x10000;
	s0 =	simm.s32 $0x10;
	[sflag:s24] =	ssyncset.done $0x0  }
0x7c: {  	s19 =	sadd.s32 $0x0, s10;
	s17 =	simm.s32 $0x10080;
	[sflag:s24] =	ssyncadd.s32 $0xFFFFD000  }
.LBB2_18:
0x7d: {  	[hbm4b:s19+s2] =	stream.linear.scatter [tilespmem:s1], [sflag:$0x5], $0x40, $0x38;
	[tilespmem:$0x13400] =	vst v63  }
0x7e: {  	s19 =	smov.u32 s0;
	s1 =	smov.u32 s17;
	p0 =	sne.s32 s0, $0x5F0  }
.Ltmp8:
0x7f: {  	s0 =	sadd.s32 $0x10, s0;
	(pc) =	sbr.rel @p0 .LBB2_18-.Ltmp8, $2  }
0x80: {  	_ =	sdelay $0x2  }
0x81: {  	s17 =	sadd.s32 $0x80, s17;
	s19 =	sadd.s32 s19, s10  }
0x82: {  	s25 =	sadd.s32 $0x1, s25  }
0x83: {  	p0 =	sne.s32 s25, s11  }
.Ltmp9:
0x84: {  	_ = 	snop;
	(pc) =	sbr.rel @p0 .LBB2_1-.Ltmp9, $4  }
0x85: {  	[hbm4b:s19+s2] =	stream.linear.scatter [tilespmem:s1], [sflag:$0x5], $0x40, $0x38;
	[tilespmem:$0x13400] =	vst v63  }
0x86: {  	_ =	swait.ge [sflag:s12], $0x1800  }
0x87: {  	[sflag:s12] =	ssyncset.done $0x0  }
0x88: {  	[sflag:s12] =	ssyncadd.s32 $0xFFFFE800  }
0x89: {  	_ =	sfence.sel $0x180000  }
0x8a: {  	[bflag:$0x0] =	sbarrier.arrive $0xFFFF  }
0x8b: {  	_ =	strace $0x90000047  }
0x8c: {  	s0 =	stileid.u32;
	[bflag:$0x2] =	sbarrier.arrive $0xFFFF  }
0x8d: {  	p0 =	sne.s32 s0, $0x0;
	s0 =	rddreg [dreg:$0x2]  }
0x8e: {  	s0 =	sadd.s32 @!p0 $0x100000, s0  }
0x8f: {  	[sflag:s0] =	ssyncadd.tile.s32 @!p0 $0x1;
	_ =	shalt  }
.Lfunc_end2:
_tile_overlayer_lowered:
.L_overlay_start_2:
0x90: {  	(tag) =	ssettag $0x2  }
0x91: {  	s0 =	rddreg [dreg:$0x0];
	s2 =	stileid.u32  }
0x92: {  	s1 =	rddreg [dreg:$0x1];
	p0 =	sne.s32 s2, $0x0  }
0x93: {  	s3 =	rddreg [dreg:$0x2];
	[bflag:$0x3] =	sbarrier.arrive $0xFFFF;
	s2 =	simm.s32 @!p0 $0x1C05  }
0x94: {  	[timem:s3], [sflag:s2] =	dma.local @!p0 [hbm:s0], s1  }
0x95: {  	s0 =	simm.s32 @!p0 $0x5  }
0x96: {  	_ =	swait.ge @!p0 [sflag:s0], s1  }
0x97: {  	s1 =	ssub.s32 @!p0 $0x0, s1;
	[sflag:s0] =	ssyncset.done @!p0 $0x0  }
0x98: {  	[sflag:s0] =	ssyncadd.s32 @!p0 s1  }
0x99: {  	[bflag:$0x3] =	sbarrier.arrive $0xFFFF  }
0x9a: {  	_ =	shalt  }

// kernel: sparse-core-data-format-call.cloned.1.call-start
scs
called_computation_lowered:
.L_overlay_start_0:
0x0: {  	s2 =	sld [smem:$0x3FD9]  }
0x1: {  	s3 =	sld [smem:$0x3FFE];
	_ =	sdelay $0x1  }
0x2: {  	s1 =	srdreg.scid  }
0x3: {  	s0 =	sand.u32 $0x1, s1  }
0x4: {  	s18 =	sshll.u32 s0, $0xA;
	s2 =	sadd.s32 s3, s2  }
0x5: {  	s2 =	sadd.s32 s2, s18  }
0x6: {  	[smem:$0x3FC6] =	sst s2  }
0x7: {  	_ = 	snop  }
0x8: {  	s2 =	sld [smem:$0x3FD0];
	(tm) =	ssettm $0x1  }
0x9: {  	s19 =	sld [smem:$0x3FFB];
	_ =	sdelay $0x3  }
0xa: {  	_ =	strace s19  }
0xb: {  	s3 =	sld [smem:$0x3FFC];
	_ =	sdelay $0x3  }
0xc: {  	_ =	strace s3  }
0xd: {  	s3 =	sld [smem:$0x3FFD];
	_ =	sdelay $0x3  }
0xe: {  	_ =	strace s3  }
0xf: {  	_ =	strace $0x8FFFFFFF  }
0x10: {  	s20 =	sld [smem:$0x3FDB];
	_ =	sdelay $0x1  }
0x11: {  	s4 =	simm.s32 $_scs_section_size  }
0x12: {  	s5 =	simm.s32 $_size__tile_overlayer_lowered;
	s6 =	simm.s32 $_tile_overlayer_lowered  }
0x13: {  	s23 =	simm.s32 $0x1BFF;
	s22 =	sshll.u32 s6, $0x1;
	s3 =	sadd.s32 s4, s20  }
0x14: {  	s7 =	simm.s32 $0x0;
	s21 =	sshll.u32 s5, $0x1;
	s5 =	sadd.s32 s22, s3  }
0x15: {  	[timem:s7], [sflag:s23] =	dma.local [hbm:s5], s21  }
0x16: {  	_ =	swait.ge [sflag:s23], s21  }
0x17: {  	s4 =	ssub.s32 $0x0, s21;
	[sflag:s23] =	ssyncset.done $0x0  }
0x18: {  	[sflag:s23] =	ssyncadd.s32 s4;
	_ =	sdelay $0x1  }
0x19: {  	s24 =	simm.s32 $0x1B8B  }
0x1a: {  	_ =	swait.ge [sflag:s24], $0x1  }
0x1b: {  	[sflag:s24] =	ssyncset.done $0x0  }
0x1c: {  	s26 =	simm.s32 $0x1B8E;
	s25 =	sld [smem:$0x3FFE];
	[sflag:s24] =	ssyncadd.s32 $0xFFFFFFFF  }
0x1d: {  	s27 =	simm.s32 $execute0_lowered;
	[smem:$0x3FD2] =	sst s26  }
0x1e: {  	s5 =	sshll.u32 s27, $0x1;
	_ =	strace $0x80000049;
	[dreg:$0x1] =	wrdreg $0xFFFFFFFF  }
0x1f: {  	s28 =	simm.s32 $_size_execute0_lowered;
	s3 =	sadd.s32 s3, s5;
	[dreg:$0x0] =	wrdreg $0x0  }
0x20: {  	s5 =	sshll.u32 s28, $0x1;
	[dreg:$0x2] =	wrdreg s3  }
0x21: {  	[dreg:$0x3] =	wrdreg s5  }
0x22: {  	[dreg:$0x4] =	wrdreg $0xC0  }
0x23: {  	_ =	task [dreg:s7], $0x5FFFF  }
0x24: {  	[dreg:$0x1] =	wrdreg $0xFFFFFFFF  }
0x25: {  	[dreg:$0x0] =	wrdreg $0x60  }
0x26: {  	[dreg:$0x2] =	wrdreg s25  }
0x27: {  	[dreg:$0x3] =	wrdreg s2  }
0x28: {  	[dreg:$0x4] =	wrdreg $0x9  }
0x29: {  	_ =	task.clear_ibuf [dreg:s7], $0x5FFFF;
	_ =	strace $0x90000049  }
0x2a: {  	s29 =	simm.s32 $0x9;
	_ =	strace $0x8000004B  }
0x2b: {  	_ =	swait.ge [sflag:s29], $0x1  }
0x2c: {  	[sflag:s29] =	ssyncadd.s32 $0xFFFFFFFF  }
0x2d: {  	_ =	strace $0x9000004B  }
0x2e: {  	_ =	sfence  }
0x2f: {  	s30 =	sld [smem:$0x0];
	_ =	sdelay $0x2  }
0x30: {  	s31 =	sshll.u32 s1, $0xD;
	s1 =	sshrl.u32 s1, $0x2  }
0x31: {  	s3 =	sand.u32 $0x4000, s31;
	s1 =	sadd.s32 s1, s30  }
0x32: {  	s0 =	sor.u32 s3, s0;
	s1 =	sshll.u32 s1, $0x11  }
0x33: {  	s0 =	sor.u32 s1, s0  }
0x34: {  	s0 =	sadd.s32 $0x8F2B, s0  }
0x35: {  	[sflag:s0] =	ssyncadd.remote.s32 $0x1  }
0x36: {  	_ =	sfence.sel $0xFFFF  }
0x37: {  	[dreg:$0x0] =	wrdreg $0xFFFFFFFF;
	(pc) =	sbr.abs _section_cstart, $3  }
0x38: {  	[dreg:$0x1] =	wrdreg $0xFFFFFFFF  }
0x39: {  	_ =	task.clear_ibuf [dreg:s7], $0x2FFFF;
	_ =	strace $0x9FFFFFFF  }
0x3a: {  	(tm) =	ssettm $0x7FFFFFFF  }
0x3b: {  	_ =	shalt  }
tec
execute0_lowered:
.L_overlay_start_1:
0x0: {  	(tag) =	ssettag $0x1  }
0x1: {  	s0 =	srdreg.scid  }
0x2: {  	s1 =	sshll.u32 s0, $0x4  }
0x3: {  	s0 =	stileid.u32;
	s1 =	sand.u32 $0x10, s1  }
0x4: {  	s1 =	sor.u32 s0, s1  }
0x5: {  	s6 =	rddreg [dreg:$0x0];
	s4 =	simm.s32 $0x1;
	s2 =	sshll.u32 s1, $0x7  }
0x6: {  	s7 =	simm.s32 $0x2;
	s12 =	simm.s32 $0x0;
	s1 =	ssub.s32 $0x1000, s2  }
0x7: {  	s8 =	simm.s32 $0x8000;
	s13 =	simm.s32 $0x0;
	s3 =	sand.u32 $0xF80, s1  }
0x8: {  	s9 =	simm.s32 $0x0;
	s5 =	sshrl.u32 s1, $0xC;
	p0 =	sne.s32 s3, $0x0  }
.Ltmp0:
0x9: {  	s1 =	rddreg [dreg:$0x2];
	s4 =	simm.s32 @!p0 $0x0;
	(pc) =	sbr.rel .LBB1_1-.Ltmp0, $4  }
0xa: {  	s11 =	simm.s32 $0x0;
	s3 =	rddreg [dreg:$0x1];
	s5 =	sadd.s32 s4, s5  }
0xb: {  	_ =	strace $0x8000004A;
	s4 =	simm.s32 $0x1;
	s5 =	smul.u32 $0xC8, s5  }
0xc: {  	s6 =	sadd.s32 $0xA00, s6;
	s10 =	smov.u32 s2;
	[sflag:s4] =	ssyncpa.u1 $0x0  }
0xd: {  	p0 =	por $0x0, $0x0;
	[sflag:s7] =	ssyncpa.u1 $0x0;
	s7 =	sor.u32 $0x1, s5  }
.LBB1_4:
0xe: {  	s16 =	sshll.u32 s13, $0x3;
	s17 =	sand.u32 $0x78, s13  }
0xf: {  	s30 =	sand.u32 $0x7E00, s13;
	s12 =	sshll.u32 s12, $0xF;
	s16 =	sand.u32 $0xC00, s16  }
0x10: {  	[tilespmem:s15+$0x810 ss:$0x81] =	vst.msk $0xffff, v2;
	s31 =	sand.u32 $0x7, s13;
	s16 =	sor.u32 s17, s16;
	s17 =	sadd.s32 s3, s30  }
0x11: {  	[tilespmem:s15+$0x1020 ss:$0x81] =	vst.msk $0xffff, v0;
	s13 =	sshll.u32 s31, $0x12;
	s12 =	sadd.s32 s12, s17;
	s16 =	sshrl.u32 s16, $0x3  }
0x12: {  	[tilespmem:s15+$0x0 ss:$0x81] =	vst.msk $0xffff, v1;
	s13 =	sor.u32 $0x400, s13;
	s12 =	sadd.s32 s16, s12  }
0x13: {  	[hbm4b:s12+s13] =	stream.strided.scatter [tilespmem:s14], [sflag:$0x2], $0x2000, s8, s13, $0x20;
	[tilespmem:$0x8080] =	vst v63  }
.LBB1_5:
0x14: {  	s14 =	sadd.s32 $0x1, s9  }
0x15: {  	s12 =	sadd.s32 $0x1000, s10;
	s16 =	smov.u32 s10;
	p2 =	sgt.s32 s14, $0xC7  }
0x16: {  	s16 =	smov.u32 @p2 s12  }
0x17: {  	s14 =	simm.s32 @p2 $0x0;
	p2 =	sgt.s32 s16, $0xFFF  }
0x18: {  	s16 =	smov.u32 @p2 s2;
	p2 =	sne.s32 s11, s7  }
.Ltmp1:
0x19: {  	p1 =	slt.u32 s11, $0x2;
	(pc) =	sbr.rel @!p2 .LBB1_6-.Ltmp1, $4  }
0x1a: {  	s15 =	simm.s32 @!p1 $0x2  }
0x1b: {  	s13 =	smov.u32 s10;
	p0 =	por !p0, !p0;
	_ =	swait.ge @!p1 [sflag:s15], $0x2000  }
0x1c: {  	s12 =	smov.u32 s9;
	[sflag:s15] =	ssyncset.done @!p1 $0x0;
	s9 =	smov.u32 s14  }
0x1d: {  	s11 =	sadd.s32 $0x1, s11;
	[sflag:s15] =	ssyncadd.s32 @!p1 $0xFFFFE000;
	s10 =	smov.u32 s16  }
.LBB1_1:
0x1e: {  	p1 =	sge.u32 s11, s5  }
0x1f: {  	s14 =	sand.u32 @!p1 $0x1FFFFFF, s9  }
0x20: {  	s15 =	smulhi.u32 @!p1 $0x147AE15, s14;
	_ =	sdelay $0x1  }
0x21: {  	s15 =	smul.u32 @!p1 $0xC8, s15  }
0x22: {  	s16 =	sxor.u32 @!p1 $0xFFFFFFFF, s11;
	s17 =	smul.u32 @!p1 $0xC80, s10  }
0x23: {  	s31 =	sadd.s32 $0xFFFFFFFF, s11;
	s16 =	sshll.u32 @!p1 s16, $0xD;
	s14 =	ssub.s32 @!p1 s14, s15  }
0x24: {  	s15 =	sand.u32 @!p1 $0x2000, s16;
	s16 =	sadd.s32 @!p1 s6, s17;
	s14 =	sshll.u32 @!p1 s14, $0x4  }
0x25: {  	s17 =	simm.s32 @!p1 $0x6400;
	s14 =	sadd.s32 @!p1 s14, s16;
	s16 =	simm.s32 @!p1 $0x40  }
0x26: {  	[tilespmem:s15], [sflag:$0x1] =	stream.strided.gather @!p1 [hbm4b:s14+s16], $0x2000, s17, s16, $0x38;
	[tilespmem:$0x8080] =	vst v63  }
0x27: {  	p1 =	sge.u32 s31, s5  }
.Ltmp2:
0x28: {  	_ = 	snop;
	(pc) =	sbr.rel @p1 .LBB1_5-.Ltmp2, $1  }
0x29: {  	_ =	sdelay $0x3  }
0x2a: {  	s14 =	simm.s32 $0x1  }
0x2b: {  	_ =	swait.ge [sflag:s4], $0x2000;
	s14 =	simm.s32 @!p0 $0x0  }
0x2c: {  	[sflag:s4] =	ssyncset.done $0x0;
	s15 =	sshll.u32 s14, $0xD  }
0x2d: {  	[sflag:s4] =	ssyncadd.s32 $0xFFFFE000;
	s18 =	sor.u32 $0x20, s15  }
0x2e: {  	s14 =	smul.u32 $0x8100, s14;
	v3 =	vld [tilespmem:s18+$0x10]  }
0x2f: {  	s30 =	sand.u32 $0x1, s11;
	v2 =	vld [tilespmem:s18+$0xFFFFFFF0]  }
0x30: {  	s15 =	smul.u32 $0x8100, s30;
	s14 =	sshrl.u32 s14, $0x2;
	v0 =	vld [tilespmem:s18+$0x0]  }
0x31: {  	v1 =	vld [tilespmem:s18+$0xFFFFFFE0];
	s16 =	sor.u32 $0x4000, s14  }
0x32: {  	s31 =	sshrl.u32 s15, $0x2;
	s15 =	sadd.s32 $0x0, s16  }
0x33: {  	s17 =	simm.s32 $0x4;
	s18 =	sadd.s32 $0x40, s18;
	s14 =	sor.u32 $0x4000, s31;
	[tilespmem:s15+$0x1830 ss:$0x81] =	vst.msk $0xffff, v3  }
.LBB1_3:
0x34: {  	v3 =	vld [tilespmem:s18+$0x10];
	p1 =	sne.s32 s17, $0x1FC;
	[tilespmem:s15+$0x810 ss:$0x81] =	vst.msk $0xffff, v2;
	s19 =	smov.u32 s17;
	s17 =	sadd.s32 $0x4, s17  }
.Ltmp3:
0x35: {  	v2 =	vld [tilespmem:s18+$0xFFFFFFF0];
	[tilespmem:s15+$0x1020 ss:$0x81] =	vst.msk $0xffff, v0;
	(pc) =	sbr.rel @p1 .LBB1_3-.Ltmp3, $4  }
0x36: {  	v0 =	vld [tilespmem:s18+$0x0];
	[tilespmem:s15+$0x0 ss:$0x81] =	vst.msk $0xffff, v1  }
0x37: {  	s15 =	sshra.s32 s19, $0x2;
	v1 =	vld [tilespmem:s18+$0xFFFFFFE0]  }
0x38: {  	s15 =	sadd.s32 s15, s16  }
0x39: {  	s18 =	sadd.s32 $0x40, s18;
	[tilespmem:s15+$0x1830 ss:$0x81] =	vst.msk $0xffff, v3  }
.Ltmp4:
0x3a: {  	_ = 	snop;
	(pc) =	sbr.rel .LBB1_4-.Ltmp4, $1  }
0x3b: {  	_ =	sdelay $0x3  }
.LBB1_6:
0x3c: {  	_ =	sfence.sel $0x180000  }
0x3d: {  	s2 =	simm.s32 $0x1;
	[bflag:$0x0] =	sbarrier.arrive $0xFFFF  }
0x3e: {  	s31 =	simm.s32 $0x2;
	[sflag:s2] =	ssyncpa.u1 $0x1  }
0x3f: {  	[sflag:s31] =	ssyncpa.u1 $0x1  }
0x40: {  	p0 =	sne.s32 s0, $0x0;
	_ =	strace $0x9000004A  }
0x41: {  	s0 =	sadd.s32 @!p0 $0x100000, s1;
	[bflag:$0x2] =	sbarrier.arrive $0xFFFF  }
0x42: {  	[sflag:s0] =	ssyncadd.tile.s32 @!p0 $0x1;
	_ =	shalt  }
.Lfunc_end1:
_tile_overlayer_lowered:
.L_overlay_start_2:
0x43: {  	(tag) =	ssettag $0x2  }
0x44: {  	s0 =	rddreg [dreg:$0x0];
	s2 =	stileid.u32  }
0x45: {  	s1 =	rddreg [dreg:$0x1];
	p0 =	sne.s32 s2, $0x0  }
0x46: {  	s3 =	rddreg [dreg:$0x2];
	[bflag:$0x3] =	sbarrier.arrive $0xFFFF;
	s2 =	simm.s32 @!p0 $0x1C01  }
0x47: {  	[timem:s3], [sflag:s2] =	dma.local @!p0 [hbm:s0], s1  }
0x48: {  	s0 =	simm.s32 @!p0 $0x1  }
0x49: {  	_ =	swait.ge @!p0 [sflag:s0], s1  }
0x4a: {  	s1 =	ssub.s32 @!p0 $0x0, s1;
	[sflag:s0] =	ssyncset.done @!p0 $0x0  }
0x4b: {  	[sflag:s0] =	ssyncadd.s32 @!p0 s1  }
0x4c: {  	[bflag:$0x3] =	sbarrier.arrive $0xFFFF  }
0x4d: {  	_ =	shalt  }

</sc_bundles>
